<compile_context>
chip_gen: v7x
topology: tpu7x:2x2x1
jax: 0.10.2.dev20260603
libtpu: 0.0.44.dev20260713+nightly
codegen_flags: <defaults>
</compile_context>

<pallas_src>
import functools

import jax
import jax.numpy as jnp
from jax import lax
from jax.experimental import pallas as pl
from jax.experimental.pallas import tpu as pltpu
from jax.experimental.pallas import tpu_sc as plsc

NC = 2
NS = 16
NW = NC * NS


def _make_gather(V, D, B, C, NB, NSB, P2):
    assert B % NW == 0
    b_per_w = B // NW
    assert b_per_w % C == 0
    chunks = b_per_w // C
    P1 = NB - P2
    assert chunks % NB == 0 and chunks >= 2 * NB and 0 < P2 < NSB
    assert NB % NSB == 0
    mesh = plsc.VectorSubcoreMesh(core_axis_name="c", subcore_axis_name="s")

    scratch = [pltpu.VMEM((b_per_w,), jnp.int32)]
    scratch += [pltpu.VMEM((C, D), jnp.float32) for _ in range(NB)]
    scratch += [pltpu.VMEM_SHARED((NS, NSB, C, D), jnp.float32)]
    scratch += [pltpu.SemaphoreType.DMA for _ in range(2 * NB + NSB)]

    @functools.partial(
        pl.kernel,
        mesh=mesh,
        out_type=jax.ShapeDtypeStruct((B, D), jnp.float32),
        scratch_types=scratch,
    )
    def gather_kernel(table_hbm, idx_hbm, out_hbm, idx_v, *rest):
        bufs = rest[:NB]
        shared = rest[NB]
        in_sems = rest[NB + 1:2 * NB + 1]
        x_sems = rest[2 * NB + 1:3 * NB + 1]
        out_sems = rest[3 * NB + 1:]
        sid = lax.axis_index("s")
        wid = sid * NC + lax.axis_index("c")
        base = wid * b_per_w
        pltpu.sync_copy(idx_hbm.at[pl.ds(base, b_per_w)], idx_v)

        def slot(b):
            return shared.at[sid, b % NSB]

        def out_slice(c):
            return out_hbm.at[pl.ds(base + c * C, C)]

        def gather_into(c, b):
            pltpu.async_copy(
                table_hbm.at[idx_v.at[pl.ds(c * C, C)]], bufs[b], in_sems[b])

        for j in range(P1):
            gather_into(j, j)

        def body(i, carry):
            g = i * NB
            for b in range(NB):
                c = g + b
                pltpu.make_async_copy(
                    table_hbm.at[idx_v.at[pl.ds(c * C, C)]],
                    bufs[b], in_sems[b]).wait()

                @pl.when(c >= NSB)
                def _():
                    pltpu.make_async_copy(
                        slot(b), out_slice(c - NSB),
                        out_sems[b % NSB]).wait()

                pltpu.async_copy(bufs[b], slot(b), x_sems[b])

                cp = c - P2
                bp = (b + NB - P2) % NB

                @pl.when(cp >= 0)
                def _():
                    pltpu.make_async_copy(
                        bufs[bp], slot(bp), x_sems[bp]).wait()
                    pltpu.async_copy(
                        slot(bp), out_slice(cp), out_sems[bp % NSB])

                f = c + P1

                @pl.when(f < chunks)
                def _():
                    gather_into(f, bp)
            return carry

        lax.fori_loop(0, chunks // NB, body, 0)

        for c in range(chunks - P2, chunks):
            b = c % NB
            pltpu.make_async_copy(bufs[b], slot(b), x_sems[b]).wait()
            pltpu.async_copy(slot(b), out_slice(c), out_sems[b % NSB])
        for c in range(chunks - NSB, chunks):
            b = c % NB
            pltpu.make_async_copy(
                slot(b), out_slice(c), out_sems[b % NSB]).wait()

    return gather_kernel


def kernel(position_ids, pe_weight):
    V, D = pe_weight.shape
    orig_shape = position_ids.shape
    B = position_ids.size
    C, NB, NSB, P2 = 8, 8, 4, 2
    idx = position_ids.astype(jnp.int32).reshape(B)
    out = _make_gather(V, D, B, C, NB, NSB, P2)(pe_weight, idx)
    return out.reshape(orig_shape + (D,))

# --- scband reference (transcript-rebuilt; emitter-appended) ---
"""Pipeline reference for scband-learned-positional-encoding-85839216378130 (READ-ONLY COPY).

The authoritative reference and input builder live on the scoring server;
editing this copy changes nothing except your own understanding.
"""

import jax, jax.numpy as jnp
import numpy as np


def setup_inputs(seed: int = 0) -> dict:
    key = jax.random.key(seed)
    k1, k2 = jax.random.split(key)
    position_ids = jax.random.randint(k1, (4, 8192), 0, 8192, dtype=jnp.int64 if jax.config.jax_enable_x64 else jnp.int32)
    # learned positional embedding table: [max_position_embeddings, embedding_dim]
    pe_weight = jax.random.normal(k2, (8192, 1024), dtype=jnp.float32)
    return {"position_ids": position_ids, "pe_weight": pe_weight}


def reference(position_ids, pe_weight):
    # nn.Embedding lookup: gather rows of the table by position id
    position_embeddings = jnp.take(pe_weight, position_ids, axis=0)
    return position_embeddings

if __name__ == "__main__":
    import jax
    _d = setup_inputs()
    print(jax.jit(kernel)(*tuple(_d.values())))

</pallas_src>

<mosaic_0001>
#map = affine_map<(d0, d1) -> (0, 0)>
#map1 = affine_map<(d0, d1) -> (0)>
module attributes {stable_mosaic.version = 14 : i64} {
  func.func @gather_kernel(%arg0: i32, %arg1: i32, %arg2: memref<8192x1024xf32, #tpu.memory_space<hbm>>, %arg3: memref<32768xi32, #tpu.memory_space<hbm>>, %arg4: memref<32768x1024xf32, #tpu.memory_space<hbm>>, %arg5: memref<1024xi32, #tpu.memory_space<vmem>>, %arg6: memref<8x1024xf32, #tpu.memory_space<vmem>>, %arg7: memref<8x1024xf32, #tpu.memory_space<vmem>>, %arg8: memref<8x1024xf32, #tpu.memory_space<vmem>>, %arg9: memref<8x1024xf32, #tpu.memory_space<vmem>>, %arg10: memref<8x1024xf32, #tpu.memory_space<vmem>>, %arg11: memref<8x1024xf32, #tpu.memory_space<vmem>>, %arg12: memref<8x1024xf32, #tpu.memory_space<vmem>>, %arg13: memref<8x1024xf32, #tpu.memory_space<vmem>>, %arg14: memref<16x4x8x1024xf32, #tpu.memory_space<vmem_shared>>, %arg15: memref<!tpu.dma_semaphore, #tpu.memory_space<semaphore_mem>>, %arg16: memref<!tpu.dma_semaphore, #tpu.memory_space<semaphore_mem>>, %arg17: memref<!tpu.dma_semaphore, #tpu.memory_space<semaphore_mem>>, %arg18: memref<!tpu.dma_semaphore, #tpu.memory_space<semaphore_mem>>, %arg19: memref<!tpu.dma_semaphore, #tpu.memory_space<semaphore_mem>>, %arg20: memref<!tpu.dma_semaphore, #tpu.memory_space<semaphore_mem>>, %arg21: memref<!tpu.dma_semaphore, #tpu.memory_space<semaphore_mem>>, %arg22: memref<!tpu.dma_semaphore, #tpu.memory_space<semaphore_mem>>, %arg23: memref<!tpu.dma_semaphore, #tpu.memory_space<semaphore_mem>>, %arg24: memref<!tpu.dma_semaphore, #tpu.memory_space<semaphore_mem>>, %arg25: memref<!tpu.dma_semaphore, #tpu.memory_space<semaphore_mem>>, %arg26: memref<!tpu.dma_semaphore, #tpu.memory_space<semaphore_mem>>, %arg27: memref<!tpu.dma_semaphore, #tpu.memory_space<semaphore_mem>>, %arg28: memref<!tpu.dma_semaphore, #tpu.memory_space<semaphore_mem>>, %arg29: memref<!tpu.dma_semaphore, #tpu.memory_space<semaphore_mem>>, %arg30: memref<!tpu.dma_semaphore, #tpu.memory_space<semaphore_mem>>, %arg31: memref<!tpu.dma_semaphore, #tpu.memory_space<semaphore_mem>>, %arg32: memref<!tpu.dma_semaphore, #tpu.memory_space<semaphore_mem>>, %arg33: memref<!tpu.dma_semaphore, #tpu.memory_space<semaphore_mem>>, %arg34: memref<!tpu.dma_semaphore, #tpu.memory_space<semaphore_mem>>) attributes {dimension_semantics = [#tpu.dimension_semantics<core_parallel>, #tpu.dimension_semantics<subcore_parallel>], iteration_bounds = array<i64: 2, 16>, scalar_prefetch = 0 : i64, scratch_operands = 30 : i64, tpu.core_type = #tpu.core_type<sc_vector_subcore>, window_params = [{transform_indices = #map}, {transform_indices = #map1}, {transform_indices = #map}]} {
    %mul3A = arith.constant 2 : i32
    %mul3A_0 = arith.muli %arg1, %mul3A : i32
    %add3A = arith.addi %mul3A_0, %arg0 : i32
    %mul3A_1 = arith.constant 1024 : i32
    %mul3A_2 = arith.muli %add3A, %mul3A_1 : i32
    "tpu.region"() ({
      %run_scoped3A = tpu.sem_alloc : memref<!tpu.dma_semaphore, #tpu.memory_space<semaphore_mem>>
      %dma_start3A_108 = tpu.memref_slice %arg3[%mul3A_2] : memref<32768xi32, #tpu.memory_space<hbm>> -> memref<1024xi32, #tpu.memory_space<hbm>>
      %dma_start3A_109 = tpu.memref_slice %arg3[%mul3A_2] : memref<32768xi32, #tpu.memory_space<hbm>> -> memref<1024xi32, #tpu.memory_space<hbm>>
      tpu.enqueue_dma source(%dma_start3A_109 : memref<1024xi32, #tpu.memory_space<hbm>>) target(%arg5 : memref<1024xi32, #tpu.memory_space<vmem>>) target_semaphore(%run_scoped3A : memref<!tpu.dma_semaphore, #tpu.memory_space<semaphore_mem>>)
      %dma_wait3A_110 = tpu.memref_slice %arg3[%mul3A_2] : memref<32768xi32, #tpu.memory_space<hbm>> -> memref<1024xi32, #tpu.memory_space<hbm>>
      %dma_wait3A_111 = tpu.memref_slice %arg3[%mul3A_2] : memref<32768xi32, #tpu.memory_space<hbm>> -> memref<1024xi32, #tpu.memory_space<hbm>>
      tpu.wait_dma2 semaphore(%run_scoped3A : memref<!tpu.dma_semaphore, #tpu.memory_space<semaphore_mem>>) src(%dma_wait3A_111 : memref<1024xi32, #tpu.memory_space<hbm>>) dst(%arg5 : memref<1024xi32, #tpu.memory_space<vmem>>)
      tpu.yield
    }) : () -> ()
    %dma_start3A = arith.constant 0 : i32
    %dma_start3A_3 = tpu.memref_slice %arg5[%dma_start3A] : memref<1024xi32, #tpu.memory_space<vmem>> -> memref<8xi32, #tpu.memory_space<vmem>>
    %dma_start3A_4 = arith.constant 0 : i32
    %dma_start3A_5 = arith.constant 0 : i32
    %dma_start3A_6 = tpu.memref_slice %arg2[%dma_start3A_4, %dma_start3A_5] : memref<8192x1024xf32, #tpu.memory_space<hbm>> -> memref<8192x1024xf32, #tpu.memory_space<hbm>>
    tpu.enqueue_indirect_dma source(%dma_start3A_6 : memref<8192x1024xf32, #tpu.memory_space<hbm>>) target(%arg6 : memref<8x1024xf32, #tpu.memory_space<vmem>>) offsets(%dma_start3A_3 : memref<8xi32, #tpu.memory_space<vmem>>) semaphore(%arg15 : memref<!tpu.dma_semaphore, #tpu.memory_space<semaphore_mem>>)
    %dma_start3A_7 = arith.constant 8 : i32
    %dma_start3A_8 = tpu.memref_slice %arg5[%dma_start3A_7] : memref<1024xi32, #tpu.memory_space<vmem>> -> memref<8xi32, #tpu.memory_space<vmem>>
    %dma_start3A_9 = arith.constant 0 : i32
    %dma_start3A_10 = arith.constant 0 : i32
    %dma_start3A_11 = tpu.memref_slice %arg2[%dma_start3A_9, %dma_start3A_10] : memref<8192x1024xf32, #tpu.memory_space<hbm>> -> memref<8192x1024xf32, #tpu.memory_space<hbm>>
    tpu.enqueue_indirect_dma source(%dma_start3A_11 : memref<8192x1024xf32, #tpu.memory_space<hbm>>) target(%arg7 : memref<8x1024xf32, #tpu.memory_space<vmem>>) offsets(%dma_start3A_8 : memref<8xi32, #tpu.memory_space<vmem>>) semaphore(%arg16 : memref<!tpu.dma_semaphore, #tpu.memory_space<semaphore_mem>>)
    %dma_start3A_12 = arith.constant 16 : i32
    %dma_start3A_13 = tpu.memref_slice %arg5[%dma_start3A_12] : memref<1024xi32, #tpu.memory_space<vmem>> -> memref<8xi32, #tpu.memory_space<vmem>>
    %dma_start3A_14 = arith.constant 0 : i32
    %dma_start3A_15 = arith.constant 0 : i32
    %dma_start3A_16 = tpu.memref_slice %arg2[%dma_start3A_14, %dma_start3A_15] : memref<8192x1024xf32, #tpu.memory_space<hbm>> -> memref<8192x1024xf32, #tpu.memory_space<hbm>>
    tpu.enqueue_indirect_dma source(%dma_start3A_16 : memref<8192x1024xf32, #tpu.memory_space<hbm>>) target(%arg8 : memref<8x1024xf32, #tpu.memory_space<vmem>>) offsets(%dma_start3A_13 : memref<8xi32, #tpu.memory_space<vmem>>) semaphore(%arg17 : memref<!tpu.dma_semaphore, #tpu.memory_space<semaphore_mem>>)
    %dma_start3A_17 = arith.constant 24 : i32
    %dma_start3A_18 = tpu.memref_slice %arg5[%dma_start3A_17] : memref<1024xi32, #tpu.memory_space<vmem>> -> memref<8xi32, #tpu.memory_space<vmem>>
    %dma_start3A_19 = arith.constant 0 : i32
    %dma_start3A_20 = arith.constant 0 : i32
    %dma_start3A_21 = tpu.memref_slice %arg2[%dma_start3A_19, %dma_start3A_20] : memref<8192x1024xf32, #tpu.memory_space<hbm>> -> memref<8192x1024xf32, #tpu.memory_space<hbm>>
    tpu.enqueue_indirect_dma source(%dma_start3A_21 : memref<8192x1024xf32, #tpu.memory_space<hbm>>) target(%arg9 : memref<8x1024xf32, #tpu.memory_space<vmem>>) offsets(%dma_start3A_18 : memref<8xi32, #tpu.memory_space<vmem>>) semaphore(%arg18 : memref<!tpu.dma_semaphore, #tpu.memory_space<semaphore_mem>>)
    %dma_start3A_22 = arith.constant 32 : i32
    %dma_start3A_23 = tpu.memref_slice %arg5[%dma_start3A_22] : memref<1024xi32, #tpu.memory_space<vmem>> -> memref<8xi32, #tpu.memory_space<vmem>>
    %dma_start3A_24 = arith.constant 0 : i32
    %dma_start3A_25 = arith.constant 0 : i32
    %dma_start3A_26 = tpu.memref_slice %arg2[%dma_start3A_24, %dma_start3A_25] : memref<8192x1024xf32, #tpu.memory_space<hbm>> -> memref<8192x1024xf32, #tpu.memory_space<hbm>>
    tpu.enqueue_indirect_dma source(%dma_start3A_26 : memref<8192x1024xf32, #tpu.memory_space<hbm>>) target(%arg10 : memref<8x1024xf32, #tpu.memory_space<vmem>>) offsets(%dma_start3A_23 : memref<8xi32, #tpu.memory_space<vmem>>) semaphore(%arg19 : memref<!tpu.dma_semaphore, #tpu.memory_space<semaphore_mem>>)
    %dma_start3A_27 = arith.constant 40 : i32
    %dma_start3A_28 = tpu.memref_slice %arg5[%dma_start3A_27] : memref<1024xi32, #tpu.memory_space<vmem>> -> memref<8xi32, #tpu.memory_space<vmem>>
    %dma_start3A_29 = arith.constant 0 : i32
    %dma_start3A_30 = arith.constant 0 : i32
    %dma_start3A_31 = tpu.memref_slice %arg2[%dma_start3A_29, %dma_start3A_30] : memref<8192x1024xf32, #tpu.memory_space<hbm>> -> memref<8192x1024xf32, #tpu.memory_space<hbm>>
    tpu.enqueue_indirect_dma source(%dma_start3A_31 : memref<8192x1024xf32, #tpu.memory_space<hbm>>) target(%arg11 : memref<8x1024xf32, #tpu.memory_space<vmem>>) offsets(%dma_start3A_28 : memref<8xi32, #tpu.memory_space<vmem>>) semaphore(%arg20 : memref<!tpu.dma_semaphore, #tpu.memory_space<semaphore_mem>>)
    %scan3A = arith.constant 0 : i32
    %scan3A_32 = arith.constant 0 : i32
    %scan3A_33 = arith.constant 16 : i32
    %scan3A_34 = arith.addi %scan3A_32, %scan3A_33 : i32
    %scan3A_35 = arith.constant 1 : i32
    scf.for %scan3A_108 = %scan3A_32 to %scan3A_34 step %scan3A_35  : i32 {
      %mul3A_109 = arith.constant 8 : i32
      %mul3A_110 = arith.muli %scan3A_108, %mul3A_109 : i32
      %add3A_111 = arith.constant 0 : i32
      %add3A_112 = arith.addi %mul3A_110, %add3A_111 : i32
      %mul3A_113 = arith.constant 8 : i32
      %mul3A_114 = arith.muli %add3A_112, %mul3A_113 : i32
      %dma_wait3A_115 = tpu.memref_slice %arg5[%mul3A_114] : memref<1024xi32, #tpu.memory_space<vmem>> -> memref<8xi32, #tpu.memory_space<vmem>>
      %dma_wait3A_116 = arith.constant 0 : i32
      %dma_wait3A_117 = arith.constant 0 : i32
      %dma_wait3A_118 = tpu.memref_slice %arg2[%dma_wait3A_116, %dma_wait3A_117] : memref<8192x1024xf32, #tpu.memory_space<hbm>> -> memref<8192x1024xf32, #tpu.memory_space<hbm>>
      tpu.wait_indirect_dma semaphore(%arg15 : memref<!tpu.dma_semaphore, #tpu.memory_space<semaphore_mem>>) src(%dma_wait3A_118 : memref<8192x1024xf32, #tpu.memory_space<hbm>>) dst(%arg6 : memref<8x1024xf32, #tpu.memory_space<vmem>>)
      %ge3A = arith.constant 4 : i32
      %ge3A_119 = arith.cmpi sge, %add3A_112, %ge3A : i32
      %convert_element_type3A = arith.extui %ge3A_119 : i1 to i32
      %cond3A = arith.constant 0 : i32
      %cond3A_120 = arith.cmpi ne, %convert_element_type3A, %cond3A : i32
      scf.if %cond3A_120 {
        %sub3A_394 = arith.constant 4 : i32
        %sub3A_395 = arith.subi %add3A_112, %sub3A_394 : i32
        %mul3A_396 = arith.constant 8 : i32
        %mul3A_397 = arith.muli %sub3A_395, %mul3A_396 : i32
        %add3A_398 = arith.addi %mul3A_2, %mul3A_397 : i32
        %dma_wait3A_399 = arith.constant 0 : i32
        %dma_wait3A_400 = arith.constant 0 : i32
        %dma_wait3A_401 = tpu.memref_slice %arg4[%add3A_398, %dma_wait3A_400] : memref<32768x1024xf32, #tpu.memory_space<hbm>> -> memref<8x1024xf32, #tpu.memory_space<hbm>>
        %dma_wait3A_402 = arith.constant 0 : i32
        %dma_wait3A_403 = arith.constant 0 : i32
        %dma_wait3A_404 = tpu.memref_slice %arg14[%arg1, %dma_wait3A_399, %dma_wait3A_402, %dma_wait3A_403] : memref<16x4x8x1024xf32, #tpu.memory_space<vmem_shared>> -> memref<1x1x8x1024xf32, #tpu.memory_space<vmem_shared>>
        %dma_wait3A_405 = tpu.memref_squeeze %dma_wait3A_404 : memref<1x1x8x1024xf32, #tpu.memory_space<vmem_shared>> -> memref<8x1024xf32, #tpu.memory_space<vmem_shared>>
        tpu.wait_dma2 semaphore(%arg31 : memref<!tpu.dma_semaphore, #tpu.memory_space<semaphore_mem>>) src(%dma_wait3A_405 : memref<8x1024xf32, #tpu.memory_space<vmem_shared>>) dst(%dma_wait3A_401 : memref<8x1024xf32, #tpu.memory_space<hbm>>)
      } else {
      }
      %dma_start3A_121 = arith.constant 0 : i32
      %dma_start3A_122 = arith.constant 0 : i32
      %dma_start3A_123 = arith.constant 0 : i32
      %dma_start3A_124 = tpu.memref_slice %arg14[%arg1, %dma_start3A_121, %dma_start3A_122, %dma_start3A_123] : memref<16x4x8x1024xf32, #tpu.memory_space<vmem_shared>> -> memref<1x1x8x1024xf32, #tpu.memory_space<vmem_shared>>
      %dma_start3A_125 = tpu.memref_squeeze %dma_start3A_124 : memref<1x1x8x1024xf32, #tpu.memory_space<vmem_shared>> -> memref<8x1024xf32, #tpu.memory_space<vmem_shared>>
      %dma_start3A_126 = arith.constant 0 : i32
      %dma_start3A_127 = arith.constant 0 : i32
      %dma_start3A_128 = tpu.memref_slice %arg14[%arg1, %dma_start3A_121, %dma_start3A_126, %dma_start3A_127] : memref<16x4x8x1024xf32, #tpu.memory_space<vmem_shared>> -> memref<1x1x8x1024xf32, #tpu.memory_space<vmem_shared>>
      %dma_start3A_129 = tpu.memref_squeeze %dma_start3A_128 : memref<1x1x8x1024xf32, #tpu.memory_space<vmem_shared>> -> memref<8x1024xf32, #tpu.memory_space<vmem_shared>>
      tpu.enqueue_dma source(%arg6 : memref<8x1024xf32, #tpu.memory_space<vmem>>) target(%dma_start3A_129 : memref<8x1024xf32, #tpu.memory_space<vmem_shared>>) target_semaphore(%arg23 : memref<!tpu.dma_semaphore, #tpu.memory_space<semaphore_mem>>)
      %sub3A = arith.constant 2 : i32
      %sub3A_130 = arith.subi %add3A_112, %sub3A : i32
      %ge3A_131 = arith.constant 0 : i32
      %ge3A_132 = arith.cmpi sge, %sub3A_130, %ge3A_131 : i32
      %convert_element_type3A_133 = arith.extui %ge3A_132 : i1 to i32
      %cond3A_134 = arith.constant 0 : i32
      %cond3A_135 = arith.cmpi ne, %convert_element_type3A_133, %cond3A_134 : i32
      scf.if %cond3A_135 {
        %dma_wait3A_394 = arith.constant 2 : i32
        %dma_wait3A_395 = arith.constant 0 : i32
        %dma_wait3A_396 = arith.constant 0 : i32
        %dma_wait3A_397 = tpu.memref_slice %arg14[%arg1, %dma_wait3A_394, %dma_wait3A_395, %dma_wait3A_396] : memref<16x4x8x1024xf32, #tpu.memory_space<vmem_shared>> -> memref<1x1x8x1024xf32, #tpu.memory_space<vmem_shared>>
        %dma_wait3A_398 = tpu.memref_squeeze %dma_wait3A_397 : memref<1x1x8x1024xf32, #tpu.memory_space<vmem_shared>> -> memref<8x1024xf32, #tpu.memory_space<vmem_shared>>
        %dma_wait3A_399 = arith.constant 0 : i32
        %dma_wait3A_400 = arith.constant 0 : i32
        %dma_wait3A_401 = tpu.memref_slice %arg14[%arg1, %dma_wait3A_394, %dma_wait3A_399, %dma_wait3A_400] : memref<16x4x8x1024xf32, #tpu.memory_space<vmem_shared>> -> memref<1x1x8x1024xf32, #tpu.memory_space<vmem_shared>>
        %dma_wait3A_402 = tpu.memref_squeeze %dma_wait3A_401 : memref<1x1x8x1024xf32, #tpu.memory_space<vmem_shared>> -> memref<8x1024xf32, #tpu.memory_space<vmem_shared>>
        tpu.wait_dma2 semaphore(%arg29 : memref<!tpu.dma_semaphore, #tpu.memory_space<semaphore_mem>>) src(%arg12 : memref<8x1024xf32, #tpu.memory_space<vmem>>) dst(%dma_wait3A_402 : memref<8x1024xf32, #tpu.memory_space<vmem_shared>>)
        %mul3A_403 = arith.constant 8 : i32
        %mul3A_404 = arith.muli %sub3A_130, %mul3A_403 : i32
        %add3A_405 = arith.addi %mul3A_2, %mul3A_404 : i32
        %dma_start3A_406 = arith.constant 2 : i32
        %dma_start3A_407 = arith.constant 0 : i32
        %dma_start3A_408 = tpu.memref_slice %arg4[%add3A_405, %dma_start3A_407] : memref<32768x1024xf32, #tpu.memory_space<hbm>> -> memref<8x1024xf32, #tpu.memory_space<hbm>>
        %dma_start3A_409 = arith.constant 0 : i32
        %dma_start3A_410 = arith.constant 0 : i32
        %dma_start3A_411 = tpu.memref_slice %arg14[%arg1, %dma_start3A_406, %dma_start3A_409, %dma_start3A_410] : memref<16x4x8x1024xf32, #tpu.memory_space<vmem_shared>> -> memref<1x1x8x1024xf32, #tpu.memory_space<vmem_shared>>
        %dma_start3A_412 = tpu.memref_squeeze %dma_start3A_411 : memref<1x1x8x1024xf32, #tpu.memory_space<vmem_shared>> -> memref<8x1024xf32, #tpu.memory_space<vmem_shared>>
        tpu.enqueue_dma source(%dma_start3A_412 : memref<8x1024xf32, #tpu.memory_space<vmem_shared>>) target(%dma_start3A_408 : memref<8x1024xf32, #tpu.memory_space<hbm>>) target_semaphore(%arg33 : memref<!tpu.dma_semaphore, #tpu.memory_space<semaphore_mem>>)
      } else {
      }
      %add3A_136 = arith.constant 6 : i32
      %add3A_137 = arith.addi %add3A_112, %add3A_136 : i32
      %lt3A = arith.constant 128 : i32
      %lt3A_138 = arith.cmpi slt, %add3A_137, %lt3A : i32
      %convert_element_type3A_139 = arith.extui %lt3A_138 : i1 to i32
      %cond3A_140 = arith.constant 0 : i32
      %cond3A_141 = arith.cmpi ne, %convert_element_type3A_139, %cond3A_140 : i32
      scf.if %cond3A_141 {
        %mul3A_394 = arith.constant 8 : i32
        %mul3A_395 = arith.muli %add3A_137, %mul3A_394 : i32
        %dma_start3A_396 = tpu.memref_slice %arg5[%mul3A_395] : memref<1024xi32, #tpu.memory_space<vmem>> -> memref<8xi32, #tpu.memory_space<vmem>>
        %dma_start3A_397 = arith.constant 0 : i32
        %dma_start3A_398 = arith.constant 0 : i32
        %dma_start3A_399 = tpu.memref_slice %arg2[%dma_start3A_397, %dma_start3A_398] : memref<8192x1024xf32, #tpu.memory_space<hbm>> -> memref<8192x1024xf32, #tpu.memory_space<hbm>>
        tpu.enqueue_indirect_dma source(%dma_start3A_399 : memref<8192x1024xf32, #tpu.memory_space<hbm>>) target(%arg12 : memref<8x1024xf32, #tpu.memory_space<vmem>>) offsets(%dma_start3A_396 : memref<8xi32, #tpu.memory_space<vmem>>) semaphore(%arg21 : memref<!tpu.dma_semaphore, #tpu.memory_space<semaphore_mem>>)
      } else {
      }
      %add3A_142 = arith.constant 1 : i32
      %add3A_143 = arith.addi %mul3A_110, %add3A_142 : i32
      %mul3A_144 = arith.constant 8 : i32
      %mul3A_145 = arith.muli %add3A_143, %mul3A_144 : i32
      %dma_wait3A_146 = tpu.memref_slice %arg5[%mul3A_145] : memref<1024xi32, #tpu.memory_space<vmem>> -> memref<8xi32, #tpu.memory_space<vmem>>
      %dma_wait3A_147 = arith.constant 0 : i32
      %dma_wait3A_148 = arith.constant 0 : i32
      %dma_wait3A_149 = tpu.memref_slice %arg2[%dma_wait3A_147, %dma_wait3A_148] : memref<8192x1024xf32, #tpu.memory_space<hbm>> -> memref<8192x1024xf32, #tpu.memory_space<hbm>>
      tpu.wait_indirect_dma semaphore(%arg16 : memref<!tpu.dma_semaphore, #tpu.memory_space<semaphore_mem>>) src(%dma_wait3A_149 : memref<8192x1024xf32, #tpu.memory_space<hbm>>) dst(%arg7 : memref<8x1024xf32, #tpu.memory_space<vmem>>)
      %ge3A_150 = arith.constant 4 : i32
      %ge3A_151 = arith.cmpi sge, %add3A_143, %ge3A_150 : i32
      %convert_element_type3A_152 = arith.extui %ge3A_151 : i1 to i32
      %cond3A_153 = arith.constant 0 : i32
      %cond3A_154 = arith.cmpi ne, %convert_element_type3A_152, %cond3A_153 : i32
      scf.if %cond3A_154 {
        %sub3A_394 = arith.constant 4 : i32
        %sub3A_395 = arith.subi %add3A_143, %sub3A_394 : i32
        %mul3A_396 = arith.constant 8 : i32
        %mul3A_397 = arith.muli %sub3A_395, %mul3A_396 : i32
        %add3A_398 = arith.addi %mul3A_2, %mul3A_397 : i32
        %dma_wait3A_399 = arith.constant 1 : i32
        %dma_wait3A_400 = arith.constant 0 : i32
        %dma_wait3A_401 = tpu.memref_slice %arg4[%add3A_398, %dma_wait3A_400] : memref<32768x1024xf32, #tpu.memory_space<hbm>> -> memref<8x1024xf32, #tpu.memory_space<hbm>>
        %dma_wait3A_402 = arith.constant 0 : i32
        %dma_wait3A_403 = arith.constant 0 : i32
        %dma_wait3A_404 = tpu.memref_slice %arg14[%arg1, %dma_wait3A_399, %dma_wait3A_402, %dma_wait3A_403] : memref<16x4x8x1024xf32, #tpu.memory_space<vmem_shared>> -> memref<1x1x8x1024xf32, #tpu.memory_space<vmem_shared>>
        %dma_wait3A_405 = tpu.memref_squeeze %dma_wait3A_404 : memref<1x1x8x1024xf32, #tpu.memory_space<vmem_shared>> -> memref<8x1024xf32, #tpu.memory_space<vmem_shared>>
        tpu.wait_dma2 semaphore(%arg32 : memref<!tpu.dma_semaphore, #tpu.memory_space<semaphore_mem>>) src(%dma_wait3A_405 : memref<8x1024xf32, #tpu.memory_space<vmem_shared>>) dst(%dma_wait3A_401 : memref<8x1024xf32, #tpu.memory_space<hbm>>)
      } else {
      }
      %dma_start3A_155 = arith.constant 1 : i32
      %dma_start3A_156 = arith.constant 0 : i32
      %dma_start3A_157 = arith.constant 0 : i32
      %dma_start3A_158 = tpu.memref_slice %arg14[%arg1, %dma_start3A_155, %dma_start3A_156, %dma_start3A_157] : memref<16x4x8x1024xf32, #tpu.memory_space<vmem_shared>> -> memref<1x1x8x1024xf32, #tpu.memory_space<vmem_shared>>
      %dma_start3A_159 = tpu.memref_squeeze %dma_start3A_158 : memref<1x1x8x1024xf32, #tpu.memory_space<vmem_shared>> -> memref<8x1024xf32, #tpu.memory_space<vmem_shared>>
      %dma_start3A_160 = arith.constant 0 : i32
      %dma_start3A_161 = arith.constant 0 : i32
      %dma_start3A_162 = tpu.memref_slice %arg14[%arg1, %dma_start3A_155, %dma_start3A_160, %dma_start3A_161] : memref<16x4x8x1024xf32, #tpu.memory_space<vmem_shared>> -> memref<1x1x8x1024xf32, #tpu.memory_space<vmem_shared>>
      %dma_start3A_163 = tpu.memref_squeeze %dma_start3A_162 : memref<1x1x8x1024xf32, #tpu.memory_space<vmem_shared>> -> memref<8x1024xf32, #tpu.memory_space<vmem_shared>>
      tpu.enqueue_dma source(%arg7 : memref<8x1024xf32, #tpu.memory_space<vmem>>) target(%dma_start3A_163 : memref<8x1024xf32, #tpu.memory_space<vmem_shared>>) target_semaphore(%arg24 : memref<!tpu.dma_semaphore, #tpu.memory_space<semaphore_mem>>)
      %sub3A_164 = arith.constant 2 : i32
      %sub3A_165 = arith.subi %add3A_143, %sub3A_164 : i32
      %ge3A_166 = arith.constant 0 : i32
      %ge3A_167 = arith.cmpi sge, %sub3A_165, %ge3A_166 : i32
      %convert_element_type3A_168 = arith.extui %ge3A_167 : i1 to i32
      %cond3A_169 = arith.constant 0 : i32
      %cond3A_170 = arith.cmpi ne, %convert_element_type3A_168, %cond3A_169 : i32
      scf.if %cond3A_170 {
        %dma_wait3A_394 = arith.constant 3 : i32
        %dma_wait3A_395 = arith.constant 0 : i32
        %dma_wait3A_396 = arith.constant 0 : i32
        %dma_wait3A_397 = tpu.memref_slice %arg14[%arg1, %dma_wait3A_394, %dma_wait3A_395, %dma_wait3A_396] : memref<16x4x8x1024xf32, #tpu.memory_space<vmem_shared>> -> memref<1x1x8x1024xf32, #tpu.memory_space<vmem_shared>>
        %dma_wait3A_398 = tpu.memref_squeeze %dma_wait3A_397 : memref<1x1x8x1024xf32, #tpu.memory_space<vmem_shared>> -> memref<8x1024xf32, #tpu.memory_space<vmem_shared>>
        %dma_wait3A_399 = arith.constant 0 : i32
        %dma_wait3A_400 = arith.constant 0 : i32
        %dma_wait3A_401 = tpu.memref_slice %arg14[%arg1, %dma_wait3A_394, %dma_wait3A_399, %dma_wait3A_400] : memref<16x4x8x1024xf32, #tpu.memory_space<vmem_shared>> -> memref<1x1x8x1024xf32, #tpu.memory_space<vmem_shared>>
        %dma_wait3A_402 = tpu.memref_squeeze %dma_wait3A_401 : memref<1x1x8x1024xf32, #tpu.memory_space<vmem_shared>> -> memref<8x1024xf32, #tpu.memory_space<vmem_shared>>
        tpu.wait_dma2 semaphore(%arg30 : memref<!tpu.dma_semaphore, #tpu.memory_space<semaphore_mem>>) src(%arg13 : memref<8x1024xf32, #tpu.memory_space<vmem>>) dst(%dma_wait3A_402 : memref<8x1024xf32, #tpu.memory_space<vmem_shared>>)
        %mul3A_403 = arith.constant 8 : i32
        %mul3A_404 = arith.muli %sub3A_165, %mul3A_403 : i32
        %add3A_405 = arith.addi %mul3A_2, %mul3A_404 : i32
        %dma_start3A_406 = arith.constant 3 : i32
        %dma_start3A_407 = arith.constant 0 : i32
        %dma_start3A_408 = tpu.memref_slice %arg4[%add3A_405, %dma_start3A_407] : memref<32768x1024xf32, #tpu.memory_space<hbm>> -> memref<8x1024xf32, #tpu.memory_space<hbm>>
        %dma_start3A_409 = arith.constant 0 : i32
        %dma_start3A_410 = arith.constant 0 : i32
        %dma_start3A_411 = tpu.memref_slice %arg14[%arg1, %dma_start3A_406, %dma_start3A_409, %dma_start3A_410] : memref<16x4x8x1024xf32, #tpu.memory_space<vmem_shared>> -> memref<1x1x8x1024xf32, #tpu.memory_space<vmem_shared>>
        %dma_start3A_412 = tpu.memref_squeeze %dma_start3A_411 : memref<1x1x8x1024xf32, #tpu.memory_space<vmem_shared>> -> memref<8x1024xf32, #tpu.memory_space<vmem_shared>>
        tpu.enqueue_dma source(%dma_start3A_412 : memref<8x1024xf32, #tpu.memory_space<vmem_shared>>) target(%dma_start3A_408 : memref<8x1024xf32, #tpu.memory_space<hbm>>) target_semaphore(%arg34 : memref<!tpu.dma_semaphore, #tpu.memory_space<semaphore_mem>>)
      } else {
      }
      %add3A_171 = arith.constant 6 : i32
      %add3A_172 = arith.addi %add3A_143, %add3A_171 : i32
      %lt3A_173 = arith.constant 128 : i32
      %lt3A_174 = arith.cmpi slt, %add3A_172, %lt3A_173 : i32
      %convert_element_type3A_175 = arith.extui %lt3A_174 : i1 to i32
      %cond3A_176 = arith.constant 0 : i32
      %cond3A_177 = arith.cmpi ne, %convert_element_type3A_175, %cond3A_176 : i32
      scf.if %cond3A_177 {
        %mul3A_394 = arith.constant 8 : i32
        %mul3A_395 = arith.muli %add3A_172, %mul3A_394 : i32
        %dma_start3A_396 = tpu.memref_slice %arg5[%mul3A_395] : memref<1024xi32, #tpu.memory_space<vmem>> -> memref<8xi32, #tpu.memory_space<vmem>>
        %dma_start3A_397 = arith.constant 0 : i32
        %dma_start3A_398 = arith.constant 0 : i32
        %dma_start3A_399 = tpu.memref_slice %arg2[%dma_start3A_397, %dma_start3A_398] : memref<8192x1024xf32, #tpu.memory_space<hbm>> -> memref<8192x1024xf32, #tpu.memory_space<hbm>>
        tpu.enqueue_indirect_dma source(%dma_start3A_399 : memref<8192x1024xf32, #tpu.memory_space<hbm>>) target(%arg13 : memref<8x1024xf32, #tpu.memory_space<vmem>>) offsets(%dma_start3A_396 : memref<8xi32, #tpu.memory_space<vmem>>) semaphore(%arg22 : memref<!tpu.dma_semaphore, #tpu.memory_space<semaphore_mem>>)
      } else {
      }
      %add3A_178 = arith.constant 2 : i32
      %add3A_179 = arith.addi %mul3A_110, %add3A_178 : i32
      %mul3A_180 = arith.constant 8 : i32
      %mul3A_181 = arith.muli %add3A_179, %mul3A_180 : i32
      %dma_wait3A_182 = tpu.memref_slice %arg5[%mul3A_181] : memref<1024xi32, #tpu.memory_space<vmem>> -> memref<8xi32, #tpu.memory_space<vmem>>
      %dma_wait3A_183 = arith.constant 0 : i32
      %dma_wait3A_184 = arith.constant 0 : i32
      %dma_wait3A_185 = tpu.memref_slice %arg2[%dma_wait3A_183, %dma_wait3A_184] : memref<8192x1024xf32, #tpu.memory_space<hbm>> -> memref<8192x1024xf32, #tpu.memory_space<hbm>>
      tpu.wait_indirect_dma semaphore(%arg17 : memref<!tpu.dma_semaphore, #tpu.memory_space<semaphore_mem>>) src(%dma_wait3A_185 : memref<8192x1024xf32, #tpu.memory_space<hbm>>) dst(%arg8 : memref<8x1024xf32, #tpu.memory_space<vmem>>)
      %ge3A_186 = arith.constant 4 : i32
      %ge3A_187 = arith.cmpi sge, %add3A_179, %ge3A_186 : i32
      %convert_element_type3A_188 = arith.extui %ge3A_187 : i1 to i32
      %cond3A_189 = arith.constant 0 : i32
      %cond3A_190 = arith.cmpi ne, %convert_element_type3A_188, %cond3A_189 : i32
      scf.if %cond3A_190 {
        %sub3A_394 = arith.constant 4 : i32
        %sub3A_395 = arith.subi %add3A_179, %sub3A_394 : i32
        %mul3A_396 = arith.constant 8 : i32
        %mul3A_397 = arith.muli %sub3A_395, %mul3A_396 : i32
        %add3A_398 = arith.addi %mul3A_2, %mul3A_397 : i32
        %dma_wait3A_399 = arith.constant 2 : i32
        %dma_wait3A_400 = arith.constant 0 : i32
        %dma_wait3A_401 = tpu.memref_slice %arg4[%add3A_398, %dma_wait3A_400] : memref<32768x1024xf32, #tpu.memory_space<hbm>> -> memref<8x1024xf32, #tpu.memory_space<hbm>>
        %dma_wait3A_402 = arith.constant 0 : i32
        %dma_wait3A_403 = arith.constant 0 : i32
        %dma_wait3A_404 = tpu.memref_slice %arg14[%arg1, %dma_wait3A_399, %dma_wait3A_402, %dma_wait3A_403] : memref<16x4x8x1024xf32, #tpu.memory_space<vmem_shared>> -> memref<1x1x8x1024xf32, #tpu.memory_space<vmem_shared>>
        %dma_wait3A_405 = tpu.memref_squeeze %dma_wait3A_404 : memref<1x1x8x1024xf32, #tpu.memory_space<vmem_shared>> -> memref<8x1024xf32, #tpu.memory_space<vmem_shared>>
        tpu.wait_dma2 semaphore(%arg33 : memref<!tpu.dma_semaphore, #tpu.memory_space<semaphore_mem>>) src(%dma_wait3A_405 : memref<8x1024xf32, #tpu.memory_space<vmem_shared>>) dst(%dma_wait3A_401 : memref<8x1024xf32, #tpu.memory_space<hbm>>)
      } else {
      }
      %dma_start3A_191 = arith.constant 2 : i32
      %dma_start3A_192 = arith.constant 0 : i32
      %dma_start3A_193 = arith.constant 0 : i32
      %dma_start3A_194 = tpu.memref_slice %arg14[%arg1, %dma_start3A_191, %dma_start3A_192, %dma_start3A_193] : memref<16x4x8x1024xf32, #tpu.memory_space<vmem_shared>> -> memref<1x1x8x1024xf32, #tpu.memory_space<vmem_shared>>
      %dma_start3A_195 = tpu.memref_squeeze %dma_start3A_194 : memref<1x1x8x1024xf32, #tpu.memory_space<vmem_shared>> -> memref<8x1024xf32, #tpu.memory_space<vmem_shared>>
      %dma_start3A_196 = arith.constant 0 : i32
      %dma_start3A_197 = arith.constant 0 : i32
      %dma_start3A_198 = tpu.memref_slice %arg14[%arg1, %dma_start3A_191, %dma_start3A_196, %dma_start3A_197] : memref<16x4x8x1024xf32, #tpu.memory_space<vmem_shared>> -> memref<1x1x8x1024xf32, #tpu.memory_space<vmem_shared>>
      %dma_start3A_199 = tpu.memref_squeeze %dma_start3A_198 : memref<1x1x8x1024xf32, #tpu.memory_space<vmem_shared>> -> memref<8x1024xf32, #tpu.memory_space<vmem_shared>>
      tpu.enqueue_dma source(%arg8 : memref<8x1024xf32, #tpu.memory_space<vmem>>) target(%dma_start3A_199 : memref<8x1024xf32, #tpu.memory_space<vmem_shared>>) target_semaphore(%arg25 : memref<!tpu.dma_semaphore, #tpu.memory_space<semaphore_mem>>)
      %sub3A_200 = arith.constant 2 : i32
      %sub3A_201 = arith.subi %add3A_179, %sub3A_200 : i32
      %ge3A_202 = arith.constant 0 : i32
      %ge3A_203 = arith.cmpi sge, %sub3A_201, %ge3A_202 : i32
      %convert_element_type3A_204 = arith.extui %ge3A_203 : i1 to i32
      %cond3A_205 = arith.constant 0 : i32
      %cond3A_206 = arith.cmpi ne, %convert_element_type3A_204, %cond3A_205 : i32
      scf.if %cond3A_206 {
        %dma_wait3A_394 = arith.constant 0 : i32
        %dma_wait3A_395 = arith.constant 0 : i32
        %dma_wait3A_396 = arith.constant 0 : i32
        %dma_wait3A_397 = tpu.memref_slice %arg14[%arg1, %dma_wait3A_394, %dma_wait3A_395, %dma_wait3A_396] : memref<16x4x8x1024xf32, #tpu.memory_space<vmem_shared>> -> memref<1x1x8x1024xf32, #tpu.memory_space<vmem_shared>>
        %dma_wait3A_398 = tpu.memref_squeeze %dma_wait3A_397 : memref<1x1x8x1024xf32, #tpu.memory_space<vmem_shared>> -> memref<8x1024xf32, #tpu.memory_space<vmem_shared>>
        %dma_wait3A_399 = arith.constant 0 : i32
        %dma_wait3A_400 = arith.constant 0 : i32
        %dma_wait3A_401 = tpu.memref_slice %arg14[%arg1, %dma_wait3A_394, %dma_wait3A_399, %dma_wait3A_400] : memref<16x4x8x1024xf32, #tpu.memory_space<vmem_shared>> -> memref<1x1x8x1024xf32, #tpu.memory_space<vmem_shared>>
        %dma_wait3A_402 = tpu.memref_squeeze %dma_wait3A_401 : memref<1x1x8x1024xf32, #tpu.memory_space<vmem_shared>> -> memref<8x1024xf32, #tpu.memory_space<vmem_shared>>
        tpu.wait_dma2 semaphore(%arg23 : memref<!tpu.dma_semaphore, #tpu.memory_space<semaphore_mem>>) src(%arg6 : memref<8x1024xf32, #tpu.memory_space<vmem>>) dst(%dma_wait3A_402 : memref<8x1024xf32, #tpu.memory_space<vmem_shared>>)
        %mul3A_403 = arith.constant 8 : i32
        %mul3A_404 = arith.muli %sub3A_201, %mul3A_403 : i32
        %add3A_405 = arith.addi %mul3A_2, %mul3A_404 : i32
        %dma_start3A_406 = arith.constant 0 : i32
        %dma_start3A_407 = arith.constant 0 : i32
        %dma_start3A_408 = tpu.memref_slice %arg4[%add3A_405, %dma_start3A_407] : memref<32768x1024xf32, #tpu.memory_space<hbm>> -> memref<8x1024xf32, #tpu.memory_space<hbm>>
        %dma_start3A_409 = arith.constant 0 : i32
        %dma_start3A_410 = arith.constant 0 : i32
        %dma_start3A_411 = tpu.memref_slice %arg14[%arg1, %dma_start3A_406, %dma_start3A_409, %dma_start3A_410] : memref<16x4x8x1024xf32, #tpu.memory_space<vmem_shared>> -> memref<1x1x8x1024xf32, #tpu.memory_space<vmem_shared>>
        %dma_start3A_412 = tpu.memref_squeeze %dma_start3A_411 : memref<1x1x8x1024xf32, #tpu.memory_space<vmem_shared>> -> memref<8x1024xf32, #tpu.memory_space<vmem_shared>>
        tpu.enqueue_dma source(%dma_start3A_412 : memref<8x1024xf32, #tpu.memory_space<vmem_shared>>) target(%dma_start3A_408 : memref<8x1024xf32, #tpu.memory_space<hbm>>) target_semaphore(%arg31 : memref<!tpu.dma_semaphore, #tpu.memory_space<semaphore_mem>>)
      } else {
      }
      %add3A_207 = arith.constant 6 : i32
      %add3A_208 = arith.addi %add3A_179, %add3A_207 : i32
      %lt3A_209 = arith.constant 128 : i32
      %lt3A_210 = arith.cmpi slt, %add3A_208, %lt3A_209 : i32
      %convert_element_type3A_211 = arith.extui %lt3A_210 : i1 to i32
      %cond3A_212 = arith.constant 0 : i32
      %cond3A_213 = arith.cmpi ne, %convert_element_type3A_211, %cond3A_212 : i32
      scf.if %cond3A_213 {
        %mul3A_394 = arith.constant 8 : i32
        %mul3A_395 = arith.muli %add3A_208, %mul3A_394 : i32
        %dma_start3A_396 = tpu.memref_slice %arg5[%mul3A_395] : memref<1024xi32, #tpu.memory_space<vmem>> -> memref<8xi32, #tpu.memory_space<vmem>>
        %dma_start3A_397 = arith.constant 0 : i32
        %dma_start3A_398 = arith.constant 0 : i32
        %dma_start3A_399 = tpu.memref_slice %arg2[%dma_start3A_397, %dma_start3A_398] : memref<8192x1024xf32, #tpu.memory_space<hbm>> -> memref<8192x1024xf32, #tpu.memory_space<hbm>>
        tpu.enqueue_indirect_dma source(%dma_start3A_399 : memref<8192x1024xf32, #tpu.memory_space<hbm>>) target(%arg6 : memref<8x1024xf32, #tpu.memory_space<vmem>>) offsets(%dma_start3A_396 : memref<8xi32, #tpu.memory_space<vmem>>) semaphore(%arg15 : memref<!tpu.dma_semaphore, #tpu.memory_space<semaphore_mem>>)
      } else {
      }
      %add3A_214 = arith.constant 3 : i32
      %add3A_215 = arith.addi %mul3A_110, %add3A_214 : i32
      %mul3A_216 = arith.constant 8 : i32
      %mul3A_217 = arith.muli %add3A_215, %mul3A_216 : i32
      %dma_wait3A_218 = tpu.memref_slice %arg5[%mul3A_217] : memref<1024xi32, #tpu.memory_space<vmem>> -> memref<8xi32, #tpu.memory_space<vmem>>
      %dma_wait3A_219 = arith.constant 0 : i32
      %dma_wait3A_220 = arith.constant 0 : i32
      %dma_wait3A_221 = tpu.memref_slice %arg2[%dma_wait3A_219, %dma_wait3A_220] : memref<8192x1024xf32, #tpu.memory_space<hbm>> -> memref<8192x1024xf32, #tpu.memory_space<hbm>>
      tpu.wait_indirect_dma semaphore(%arg18 : memref<!tpu.dma_semaphore, #tpu.memory_space<semaphore_mem>>) src(%dma_wait3A_221 : memref<8192x1024xf32, #tpu.memory_space<hbm>>) dst(%arg9 : memref<8x1024xf32, #tpu.memory_space<vmem>>)
      %ge3A_222 = arith.constant 4 : i32
      %ge3A_223 = arith.cmpi sge, %add3A_215, %ge3A_222 : i32
      %convert_element_type3A_224 = arith.extui %ge3A_223 : i1 to i32
      %cond3A_225 = arith.constant 0 : i32
      %cond3A_226 = arith.cmpi ne, %convert_element_type3A_224, %cond3A_225 : i32
      scf.if %cond3A_226 {
        %sub3A_394 = arith.constant 4 : i32
        %sub3A_395 = arith.subi %add3A_215, %sub3A_394 : i32
        %mul3A_396 = arith.constant 8 : i32
        %mul3A_397 = arith.muli %sub3A_395, %mul3A_396 : i32
        %add3A_398 = arith.addi %mul3A_2, %mul3A_397 : i32
        %dma_wait3A_399 = arith.constant 3 : i32
        %dma_wait3A_400 = arith.constant 0 : i32
        %dma_wait3A_401 = tpu.memref_slice %arg4[%add3A_398, %dma_wait3A_400] : memref<32768x1024xf32, #tpu.memory_space<hbm>> -> memref<8x1024xf32, #tpu.memory_space<hbm>>
        %dma_wait3A_402 = arith.constant 0 : i32
        %dma_wait3A_403 = arith.constant 0 : i32
        %dma_wait3A_404 = tpu.memref_slice %arg14[%arg1, %dma_wait3A_399, %dma_wait3A_402, %dma_wait3A_403] : memref<16x4x8x1024xf32, #tpu.memory_space<vmem_shared>> -> memref<1x1x8x1024xf32, #tpu.memory_space<vmem_shared>>
        %dma_wait3A_405 = tpu.memref_squeeze %dma_wait3A_404 : memref<1x1x8x1024xf32, #tpu.memory_space<vmem_shared>> -> memref<8x1024xf32, #tpu.memory_space<vmem_shared>>
        tpu.wait_dma2 semaphore(%arg34 : memref<!tpu.dma_semaphore, #tpu.memory_space<semaphore_mem>>) src(%dma_wait3A_405 : memref<8x1024xf32, #tpu.memory_space<vmem_shared>>) dst(%dma_wait3A_401 : memref<8x1024xf32, #tpu.memory_space<hbm>>)
      } else {
      }
      %dma_start3A_227 = arith.constant 3 : i32
      %dma_start3A_228 = arith.constant 0 : i32
      %dma_start3A_229 = arith.constant 0 : i32
      %dma_start3A_230 = tpu.memref_slice %arg14[%arg1, %dma_start3A_227, %dma_start3A_228, %dma_start3A_229] : memref<16x4x8x1024xf32, #tpu.memory_space<vmem_shared>> -> memref<1x1x8x1024xf32, #tpu.memory_space<vmem_shared>>
      %dma_start3A_231 = tpu.memref_squeeze %dma_start3A_230 : memref<1x1x8x1024xf32, #tpu.memory_space<vmem_shared>> -> memref<8x1024xf32, #tpu.memory_space<vmem_shared>>
      %dma_start3A_232 = arith.constant 0 : i32
      %dma_start3A_233 = arith.constant 0 : i32
      %dma_start3A_234 = tpu.memref_slice %arg14[%arg1, %dma_start3A_227, %dma_start3A_232, %dma_start3A_233] : memref<16x4x8x1024xf32, #tpu.memory_space<vmem_shared>> -> memref<1x1x8x1024xf32, #tpu.memory_space<vmem_shared>>
      %dma_start3A_235 = tpu.memref_squeeze %dma_start3A_234 : memref<1x1x8x1024xf32, #tpu.memory_space<vmem_shared>> -> memref<8x1024xf32, #tpu.memory_space<vmem_shared>>
      tpu.enqueue_dma source(%arg9 : memref<8x1024xf32, #tpu.memory_space<vmem>>) target(%dma_start3A_235 : memref<8x1024xf32, #tpu.memory_space<vmem_shared>>) target_semaphore(%arg26 : memref<!tpu.dma_semaphore, #tpu.memory_space<semaphore_mem>>)
      %sub3A_236 = arith.constant 2 : i32
      %sub3A_237 = arith.subi %add3A_215, %sub3A_236 : i32
      %ge3A_238 = arith.constant 0 : i32
      %ge3A_239 = arith.cmpi sge, %sub3A_237, %ge3A_238 : i32
      %convert_element_type3A_240 = arith.extui %ge3A_239 : i1 to i32
      %cond3A_241 = arith.constant 0 : i32
      %cond3A_242 = arith.cmpi ne, %convert_element_type3A_240, %cond3A_241 : i32
      scf.if %cond3A_242 {
        %dma_wait3A_394 = arith.constant 1 : i32
        %dma_wait3A_395 = arith.constant 0 : i32
        %dma_wait3A_396 = arith.constant 0 : i32
        %dma_wait3A_397 = tpu.memref_slice %arg14[%arg1, %dma_wait3A_394, %dma_wait3A_395, %dma_wait3A_396] : memref<16x4x8x1024xf32, #tpu.memory_space<vmem_shared>> -> memref<1x1x8x1024xf32, #tpu.memory_space<vmem_shared>>
        %dma_wait3A_398 = tpu.memref_squeeze %dma_wait3A_397 : memref<1x1x8x1024xf32, #tpu.memory_space<vmem_shared>> -> memref<8x1024xf32, #tpu.memory_space<vmem_shared>>
        %dma_wait3A_399 = arith.constant 0 : i32
        %dma_wait3A_400 = arith.constant 0 : i32
        %dma_wait3A_401 = tpu.memref_slice %arg14[%arg1, %dma_wait3A_394, %dma_wait3A_399, %dma_wait3A_400] : memref<16x4x8x1024xf32, #tpu.memory_space<vmem_shared>> -> memref<1x1x8x1024xf32, #tpu.memory_space<vmem_shared>>
        %dma_wait3A_402 = tpu.memref_squeeze %dma_wait3A_401 : memref<1x1x8x1024xf32, #tpu.memory_space<vmem_shared>> -> memref<8x1024xf32, #tpu.memory_space<vmem_shared>>
        tpu.wait_dma2 semaphore(%arg24 : memref<!tpu.dma_semaphore, #tpu.memory_space<semaphore_mem>>) src(%arg7 : memref<8x1024xf32, #tpu.memory_space<vmem>>) dst(%dma_wait3A_402 : memref<8x1024xf32, #tpu.memory_space<vmem_shared>>)
        %mul3A_403 = arith.constant 8 : i32
        %mul3A_404 = arith.muli %sub3A_237, %mul3A_403 : i32
        %add3A_405 = arith.addi %mul3A_2, %mul3A_404 : i32
        %dma_start3A_406 = arith.constant 1 : i32
        %dma_start3A_407 = arith.constant 0 : i32
        %dma_start3A_408 = tpu.memref_slice %arg4[%add3A_405, %dma_start3A_407] : memref<32768x1024xf32, #tpu.memory_space<hbm>> -> memref<8x1024xf32, #tpu.memory_space<hbm>>
        %dma_start3A_409 = arith.constant 0 : i32
        %dma_start3A_410 = arith.constant 0 : i32
        %dma_start3A_411 = tpu.memref_slice %arg14[%arg1, %dma_start3A_406, %dma_start3A_409, %dma_start3A_410] : memref<16x4x8x1024xf32, #tpu.memory_space<vmem_shared>> -> memref<1x1x8x1024xf32, #tpu.memory_space<vmem_shared>>
        %dma_start3A_412 = tpu.memref_squeeze %dma_start3A_411 : memref<1x1x8x1024xf32, #tpu.memory_space<vmem_shared>> -> memref<8x1024xf32, #tpu.memory_space<vmem_shared>>
        tpu.enqueue_dma source(%dma_start3A_412 : memref<8x1024xf32, #tpu.memory_space<vmem_shared>>) target(%dma_start3A_408 : memref<8x1024xf32, #tpu.memory_space<hbm>>) target_semaphore(%arg32 : memref<!tpu.dma_semaphore, #tpu.memory_space<semaphore_mem>>)
      } else {
      }
      %add3A_243 = arith.constant 6 : i32
      %add3A_244 = arith.addi %add3A_215, %add3A_243 : i32
      %lt3A_245 = arith.constant 128 : i32
      %lt3A_246 = arith.cmpi slt, %add3A_244, %lt3A_245 : i32
      %convert_element_type3A_247 = arith.extui %lt3A_246 : i1 to i32
      %cond3A_248 = arith.constant 0 : i32
      %cond3A_249 = arith.cmpi ne, %convert_element_type3A_247, %cond3A_248 : i32
      scf.if %cond3A_249 {
        %mul3A_394 = arith.constant 8 : i32
        %mul3A_395 = arith.muli %add3A_244, %mul3A_394 : i32
        %dma_start3A_396 = tpu.memref_slice %arg5[%mul3A_395] : memref<1024xi32, #tpu.memory_space<vmem>> -> memref<8xi32, #tpu.memory_space<vmem>>
        %dma_start3A_397 = arith.constant 0 : i32
        %dma_start3A_398 = arith.constant 0 : i32
        %dma_start3A_399 = tpu.memref_slice %arg2[%dma_start3A_397, %dma_start3A_398] : memref<8192x1024xf32, #tpu.memory_space<hbm>> -> memref<8192x1024xf32, #tpu.memory_space<hbm>>
        tpu.enqueue_indirect_dma source(%dma_start3A_399 : memref<8192x1024xf32, #tpu.memory_space<hbm>>) target(%arg7 : memref<8x1024xf32, #tpu.memory_space<vmem>>) offsets(%dma_start3A_396 : memref<8xi32, #tpu.memory_space<vmem>>) semaphore(%arg16 : memref<!tpu.dma_semaphore, #tpu.memory_space<semaphore_mem>>)
      } else {
      }
      %add3A_250 = arith.constant 4 : i32
      %add3A_251 = arith.addi %mul3A_110, %add3A_250 : i32
      %mul3A_252 = arith.constant 8 : i32
      %mul3A_253 = arith.muli %add3A_251, %mul3A_252 : i32
      %dma_wait3A_254 = tpu.memref_slice %arg5[%mul3A_253] : memref<1024xi32, #tpu.memory_space<vmem>> -> memref<8xi32, #tpu.memory_space<vmem>>
      %dma_wait3A_255 = arith.constant 0 : i32
      %dma_wait3A_256 = arith.constant 0 : i32
      %dma_wait3A_257 = tpu.memref_slice %arg2[%dma_wait3A_255, %dma_wait3A_256] : memref<8192x1024xf32, #tpu.memory_space<hbm>> -> memref<8192x1024xf32, #tpu.memory_space<hbm>>
      tpu.wait_indirect_dma semaphore(%arg19 : memref<!tpu.dma_semaphore, #tpu.memory_space<semaphore_mem>>) src(%dma_wait3A_257 : memref<8192x1024xf32, #tpu.memory_space<hbm>>) dst(%arg10 : memref<8x1024xf32, #tpu.memory_space<vmem>>)
      %ge3A_258 = arith.constant 4 : i32
      %ge3A_259 = arith.cmpi sge, %add3A_251, %ge3A_258 : i32
      %convert_element_type3A_260 = arith.extui %ge3A_259 : i1 to i32
      %cond3A_261 = arith.constant 0 : i32
      %cond3A_262 = arith.cmpi ne, %convert_element_type3A_260, %cond3A_261 : i32
      scf.if %cond3A_262 {
        %sub3A_394 = arith.constant 4 : i32
        %sub3A_395 = arith.subi %add3A_251, %sub3A_394 : i32
        %mul3A_396 = arith.constant 8 : i32
        %mul3A_397 = arith.muli %sub3A_395, %mul3A_396 : i32
        %add3A_398 = arith.addi %mul3A_2, %mul3A_397 : i32
        %dma_wait3A_399 = arith.constant 0 : i32
        %dma_wait3A_400 = arith.constant 0 : i32
        %dma_wait3A_401 = tpu.memref_slice %arg4[%add3A_398, %dma_wait3A_400] : memref<32768x1024xf32, #tpu.memory_space<hbm>> -> memref<8x1024xf32, #tpu.memory_space<hbm>>
        %dma_wait3A_402 = arith.constant 0 : i32
        %dma_wait3A_403 = arith.constant 0 : i32
        %dma_wait3A_404 = tpu.memref_slice %arg14[%arg1, %dma_wait3A_399, %dma_wait3A_402, %dma_wait3A_403] : memref<16x4x8x1024xf32, #tpu.memory_space<vmem_shared>> -> memref<1x1x8x1024xf32, #tpu.memory_space<vmem_shared>>
        %dma_wait3A_405 = tpu.memref_squeeze %dma_wait3A_404 : memref<1x1x8x1024xf32, #tpu.memory_space<vmem_shared>> -> memref<8x1024xf32, #tpu.memory_space<vmem_shared>>
        tpu.wait_dma2 semaphore(%arg31 : memref<!tpu.dma_semaphore, #tpu.memory_space<semaphore_mem>>) src(%dma_wait3A_405 : memref<8x1024xf32, #tpu.memory_space<vmem_shared>>) dst(%dma_wait3A_401 : memref<8x1024xf32, #tpu.memory_space<hbm>>)
      } else {
      }
      %dma_start3A_263 = arith.constant 0 : i32
      %dma_start3A_264 = arith.constant 0 : i32
      %dma_start3A_265 = arith.constant 0 : i32
      %dma_start3A_266 = tpu.memref_slice %arg14[%arg1, %dma_start3A_263, %dma_start3A_264, %dma_start3A_265] : memref<16x4x8x1024xf32, #tpu.memory_space<vmem_shared>> -> memref<1x1x8x1024xf32, #tpu.memory_space<vmem_shared>>
      %dma_start3A_267 = tpu.memref_squeeze %dma_start3A_266 : memref<1x1x8x1024xf32, #tpu.memory_space<vmem_shared>> -> memref<8x1024xf32, #tpu.memory_space<vmem_shared>>
      %dma_start3A_268 = arith.constant 0 : i32
      %dma_start3A_269 = arith.constant 0 : i32
      %dma_start3A_270 = tpu.memref_slice %arg14[%arg1, %dma_start3A_263, %dma_start3A_268, %dma_start3A_269] : memref<16x4x8x1024xf32, #tpu.memory_space<vmem_shared>> -> memref<1x1x8x1024xf32, #tpu.memory_space<vmem_shared>>
      %dma_start3A_271 = tpu.memref_squeeze %dma_start3A_270 : memref<1x1x8x1024xf32, #tpu.memory_space<vmem_shared>> -> memref<8x1024xf32, #tpu.memory_space<vmem_shared>>
      tpu.enqueue_dma source(%arg10 : memref<8x1024xf32, #tpu.memory_space<vmem>>) target(%dma_start3A_271 : memref<8x1024xf32, #tpu.memory_space<vmem_shared>>) target_semaphore(%arg27 : memref<!tpu.dma_semaphore, #tpu.memory_space<semaphore_mem>>)
      %sub3A_272 = arith.constant 2 : i32
      %sub3A_273 = arith.subi %add3A_251, %sub3A_272 : i32
      %ge3A_274 = arith.constant 0 : i32
      %ge3A_275 = arith.cmpi sge, %sub3A_273, %ge3A_274 : i32
      %convert_element_type3A_276 = arith.extui %ge3A_275 : i1 to i32
      %cond3A_277 = arith.constant 0 : i32
      %cond3A_278 = arith.cmpi ne, %convert_element_type3A_276, %cond3A_277 : i32
      scf.if %cond3A_278 {
        %dma_wait3A_394 = arith.constant 2 : i32
        %dma_wait3A_395 = arith.constant 0 : i32
        %dma_wait3A_396 = arith.constant 0 : i32
        %dma_wait3A_397 = tpu.memref_slice %arg14[%arg1, %dma_wait3A_394, %dma_wait3A_395, %dma_wait3A_396] : memref<16x4x8x1024xf32, #tpu.memory_space<vmem_shared>> -> memref<1x1x8x1024xf32, #tpu.memory_space<vmem_shared>>
        %dma_wait3A_398 = tpu.memref_squeeze %dma_wait3A_397 : memref<1x1x8x1024xf32, #tpu.memory_space<vmem_shared>> -> memref<8x1024xf32, #tpu.memory_space<vmem_shared>>
        %dma_wait3A_399 = arith.constant 0 : i32
        %dma_wait3A_400 = arith.constant 0 : i32
        %dma_wait3A_401 = tpu.memref_slice %arg14[%arg1, %dma_wait3A_394, %dma_wait3A_399, %dma_wait3A_400] : memref<16x4x8x1024xf32, #tpu.memory_space<vmem_shared>> -> memref<1x1x8x1024xf32, #tpu.memory_space<vmem_shared>>
        %dma_wait3A_402 = tpu.memref_squeeze %dma_wait3A_401 : memref<1x1x8x1024xf32, #tpu.memory_space<vmem_shared>> -> memref<8x1024xf32, #tpu.memory_space<vmem_shared>>
        tpu.wait_dma2 semaphore(%arg25 : memref<!tpu.dma_semaphore, #tpu.memory_space<semaphore_mem>>) src(%arg8 : memref<8x1024xf32, #tpu.memory_space<vmem>>) dst(%dma_wait3A_402 : memref<8x1024xf32, #tpu.memory_space<vmem_shared>>)
        %mul3A_403 = arith.constant 8 : i32
        %mul3A_404 = arith.muli %sub3A_273, %mul3A_403 : i32
        %add3A_405 = arith.addi %mul3A_2, %mul3A_404 : i32
        %dma_start3A_406 = arith.constant 2 : i32
        %dma_start3A_407 = arith.constant 0 : i32
        %dma_start3A_408 = tpu.memref_slice %arg4[%add3A_405, %dma_start3A_407] : memref<32768x1024xf32, #tpu.memory_space<hbm>> -> memref<8x1024xf32, #tpu.memory_space<hbm>>
        %dma_start3A_409 = arith.constant 0 : i32
        %dma_start3A_410 = arith.constant 0 : i32
        %dma_start3A_411 = tpu.memref_slice %arg14[%arg1, %dma_start3A_406, %dma_start3A_409, %dma_start3A_410] : memref<16x4x8x1024xf32, #tpu.memory_space<vmem_shared>> -> memref<1x1x8x1024xf32, #tpu.memory_space<vmem_shared>>
        %dma_start3A_412 = tpu.memref_squeeze %dma_start3A_411 : memref<1x1x8x1024xf32, #tpu.memory_space<vmem_shared>> -> memref<8x1024xf32, #tpu.memory_space<vmem_shared>>
        tpu.enqueue_dma source(%dma_start3A_412 : memref<8x1024xf32, #tpu.memory_space<vmem_shared>>) target(%dma_start3A_408 : memref<8x1024xf32, #tpu.memory_space<hbm>>) target_semaphore(%arg33 : memref<!tpu.dma_semaphore, #tpu.memory_space<semaphore_mem>>)
      } else {
      }
      %add3A_279 = arith.constant 6 : i32
      %add3A_280 = arith.addi %add3A_251, %add3A_279 : i32
      %lt3A_281 = arith.constant 128 : i32
      %lt3A_282 = arith.cmpi slt, %add3A_280, %lt3A_281 : i32
      %convert_element_type3A_283 = arith.extui %lt3A_282 : i1 to i32
      %cond3A_284 = arith.constant 0 : i32
      %cond3A_285 = arith.cmpi ne, %convert_element_type3A_283, %cond3A_284 : i32
      scf.if %cond3A_285 {
        %mul3A_394 = arith.constant 8 : i32
        %mul3A_395 = arith.muli %add3A_280, %mul3A_394 : i32
        %dma_start3A_396 = tpu.memref_slice %arg5[%mul3A_395] : memref<1024xi32, #tpu.memory_space<vmem>> -> memref<8xi32, #tpu.memory_space<vmem>>
        %dma_start3A_397 = arith.constant 0 : i32
        %dma_start3A_398 = arith.constant 0 : i32
        %dma_start3A_399 = tpu.memref_slice %arg2[%dma_start3A_397, %dma_start3A_398] : memref<8192x1024xf32, #tpu.memory_space<hbm>> -> memref<8192x1024xf32, #tpu.memory_space<hbm>>
        tpu.enqueue_indirect_dma source(%dma_start3A_399 : memref<8192x1024xf32, #tpu.memory_space<hbm>>) target(%arg8 : memref<8x1024xf32, #tpu.memory_space<vmem>>) offsets(%dma_start3A_396 : memref<8xi32, #tpu.memory_space<vmem>>) semaphore(%arg17 : memref<!tpu.dma_semaphore, #tpu.memory_space<semaphore_mem>>)
      } else {
      }
      %add3A_286 = arith.constant 5 : i32
      %add3A_287 = arith.addi %mul3A_110, %add3A_286 : i32
      %mul3A_288 = arith.constant 8 : i32
      %mul3A_289 = arith.muli %add3A_287, %mul3A_288 : i32
      %dma_wait3A_290 = tpu.memref_slice %arg5[%mul3A_289] : memref<1024xi32, #tpu.memory_space<vmem>> -> memref<8xi32, #tpu.memory_space<vmem>>
      %dma_wait3A_291 = arith.constant 0 : i32
      %dma_wait3A_292 = arith.constant 0 : i32
      %dma_wait3A_293 = tpu.memref_slice %arg2[%dma_wait3A_291, %dma_wait3A_292] : memref<8192x1024xf32, #tpu.memory_space<hbm>> -> memref<8192x1024xf32, #tpu.memory_space<hbm>>
      tpu.wait_indirect_dma semaphore(%arg20 : memref<!tpu.dma_semaphore, #tpu.memory_space<semaphore_mem>>) src(%dma_wait3A_293 : memref<8192x1024xf32, #tpu.memory_space<hbm>>) dst(%arg11 : memref<8x1024xf32, #tpu.memory_space<vmem>>)
      %ge3A_294 = arith.constant 4 : i32
      %ge3A_295 = arith.cmpi sge, %add3A_287, %ge3A_294 : i32
      %convert_element_type3A_296 = arith.extui %ge3A_295 : i1 to i32
      %cond3A_297 = arith.constant 0 : i32
      %cond3A_298 = arith.cmpi ne, %convert_element_type3A_296, %cond3A_297 : i32
      scf.if %cond3A_298 {
        %sub3A_394 = arith.constant 4 : i32
        %sub3A_395 = arith.subi %add3A_287, %sub3A_394 : i32
        %mul3A_396 = arith.constant 8 : i32
        %mul3A_397 = arith.muli %sub3A_395, %mul3A_396 : i32
        %add3A_398 = arith.addi %mul3A_2, %mul3A_397 : i32
        %dma_wait3A_399 = arith.constant 1 : i32
        %dma_wait3A_400 = arith.constant 0 : i32
        %dma_wait3A_401 = tpu.memref_slice %arg4[%add3A_398, %dma_wait3A_400] : memref<32768x1024xf32, #tpu.memory_space<hbm>> -> memref<8x1024xf32, #tpu.memory_space<hbm>>
        %dma_wait3A_402 = arith.constant 0 : i32
        %dma_wait3A_403 = arith.constant 0 : i32
        %dma_wait3A_404 = tpu.memref_slice %arg14[%arg1, %dma_wait3A_399, %dma_wait3A_402, %dma_wait3A_403] : memref<16x4x8x1024xf32, #tpu.memory_space<vmem_shared>> -> memref<1x1x8x1024xf32, #tpu.memory_space<vmem_shared>>
        %dma_wait3A_405 = tpu.memref_squeeze %dma_wait3A_404 : memref<1x1x8x1024xf32, #tpu.memory_space<vmem_shared>> -> memref<8x1024xf32, #tpu.memory_space<vmem_shared>>
        tpu.wait_dma2 semaphore(%arg32 : memref<!tpu.dma_semaphore, #tpu.memory_space<semaphore_mem>>) src(%dma_wait3A_405 : memref<8x1024xf32, #tpu.memory_space<vmem_shared>>) dst(%dma_wait3A_401 : memref<8x1024xf32, #tpu.memory_space<hbm>>)
      } else {
      }
      %dma_start3A_299 = arith.constant 1 : i32
      %dma_start3A_300 = arith.constant 0 : i32
      %dma_start3A_301 = arith.constant 0 : i32
      %dma_start3A_302 = tpu.memref_slice %arg14[%arg1, %dma_start3A_299, %dma_start3A_300, %dma_start3A_301] : memref<16x4x8x1024xf32, #tpu.memory_space<vmem_shared>> -> memref<1x1x8x1024xf32, #tpu.memory_space<vmem_shared>>
      %dma_start3A_303 = tpu.memref_squeeze %dma_start3A_302 : memref<1x1x8x1024xf32, #tpu.memory_space<vmem_shared>> -> memref<8x1024xf32, #tpu.memory_space<vmem_shared>>
      %dma_start3A_304 = arith.constant 0 : i32
      %dma_start3A_305 = arith.constant 0 : i32
      %dma_start3A_306 = tpu.memref_slice %arg14[%arg1, %dma_start3A_299, %dma_start3A_304, %dma_start3A_305] : memref<16x4x8x1024xf32, #tpu.memory_space<vmem_shared>> -> memref<1x1x8x1024xf32, #tpu.memory_space<vmem_shared>>
      %dma_start3A_307 = tpu.memref_squeeze %dma_start3A_306 : memref<1x1x8x1024xf32, #tpu.memory_space<vmem_shared>> -> memref<8x1024xf32, #tpu.memory_space<vmem_shared>>
      tpu.enqueue_dma source(%arg11 : memref<8x1024xf32, #tpu.memory_space<vmem>>) target(%dma_start3A_307 : memref<8x1024xf32, #tpu.memory_space<vmem_shared>>) target_semaphore(%arg28 : memref<!tpu.dma_semaphore, #tpu.memory_space<semaphore_mem>>)
      %sub3A_308 = arith.constant 2 : i32
      %sub3A_309 = arith.subi %add3A_287, %sub3A_308 : i32
      %ge3A_310 = arith.constant 0 : i32
      %ge3A_311 = arith.cmpi sge, %sub3A_309, %ge3A_310 : i32
      %convert_element_type3A_312 = arith.extui %ge3A_311 : i1 to i32
      %cond3A_313 = arith.constant 0 : i32
      %cond3A_314 = arith.cmpi ne, %convert_element_type3A_312, %cond3A_313 : i32
      scf.if %cond3A_314 {
        %dma_wait3A_394 = arith.constant 3 : i32
        %dma_wait3A_395 = arith.constant 0 : i32
        %dma_wait3A_396 = arith.constant 0 : i32
        %dma_wait3A_397 = tpu.memref_slice %arg14[%arg1, %dma_wait3A_394, %dma_wait3A_395, %dma_wait3A_396] : memref<16x4x8x1024xf32, #tpu.memory_space<vmem_shared>> -> memref<1x1x8x1024xf32, #tpu.memory_space<vmem_shared>>
        %dma_wait3A_398 = tpu.memref_squeeze %dma_wait3A_397 : memref<1x1x8x1024xf32, #tpu.memory_space<vmem_shared>> -> memref<8x1024xf32, #tpu.memory_space<vmem_shared>>
        %dma_wait3A_399 = arith.constant 0 : i32
        %dma_wait3A_400 = arith.constant 0 : i32
        %dma_wait3A_401 = tpu.memref_slice %arg14[%arg1, %dma_wait3A_394, %dma_wait3A_399, %dma_wait3A_400] : memref<16x4x8x1024xf32, #tpu.memory_space<vmem_shared>> -> memref<1x1x8x1024xf32, #tpu.memory_space<vmem_shared>>
        %dma_wait3A_402 = tpu.memref_squeeze %dma_wait3A_401 : memref<1x1x8x1024xf32, #tpu.memory_space<vmem_shared>> -> memref<8x1024xf32, #tpu.memory_space<vmem_shared>>
        tpu.wait_dma2 semaphore(%arg26 : memref<!tpu.dma_semaphore, #tpu.memory_space<semaphore_mem>>) src(%arg9 : memref<8x1024xf32, #tpu.memory_space<vmem>>) dst(%dma_wait3A_402 : memref<8x1024xf32, #tpu.memory_space<vmem_shared>>)
        %mul3A_403 = arith.constant 8 : i32
        %mul3A_404 = arith.muli %sub3A_309, %mul3A_403 : i32
        %add3A_405 = arith.addi %mul3A_2, %mul3A_404 : i32
        %dma_start3A_406 = arith.constant 3 : i32
        %dma_start3A_407 = arith.constant 0 : i32
        %dma_start3A_408 = tpu.memref_slice %arg4[%add3A_405, %dma_start3A_407] : memref<32768x1024xf32, #tpu.memory_space<hbm>> -> memref<8x1024xf32, #tpu.memory_space<hbm>>
        %dma_start3A_409 = arith.constant 0 : i32
        %dma_start3A_410 = arith.constant 0 : i32
        %dma_start3A_411 = tpu.memref_slice %arg14[%arg1, %dma_start3A_406, %dma_start3A_409, %dma_start3A_410] : memref<16x4x8x1024xf32, #tpu.memory_space<vmem_shared>> -> memref<1x1x8x1024xf32, #tpu.memory_space<vmem_shared>>
        %dma_start3A_412 = tpu.memref_squeeze %dma_start3A_411 : memref<1x1x8x1024xf32, #tpu.memory_space<vmem_shared>> -> memref<8x1024xf32, #tpu.memory_space<vmem_shared>>
        tpu.enqueue_dma source(%dma_start3A_412 : memref<8x1024xf32, #tpu.memory_space<vmem_shared>>) target(%dma_start3A_408 : memref<8x1024xf32, #tpu.memory_space<hbm>>) target_semaphore(%arg34 : memref<!tpu.dma_semaphore, #tpu.memory_space<semaphore_mem>>)
      } else {
      }
      %add3A_315 = arith.constant 6 : i32
      %add3A_316 = arith.addi %add3A_287, %add3A_315 : i32
      %lt3A_317 = arith.constant 128 : i32
      %lt3A_318 = arith.cmpi slt, %add3A_316, %lt3A_317 : i32
      %convert_element_type3A_319 = arith.extui %lt3A_318 : i1 to i32
      %cond3A_320 = arith.constant 0 : i32
      %cond3A_321 = arith.cmpi ne, %convert_element_type3A_319, %cond3A_320 : i32
      scf.if %cond3A_321 {
        %mul3A_394 = arith.constant 8 : i32
        %mul3A_395 = arith.muli %add3A_316, %mul3A_394 : i32
        %dma_start3A_396 = tpu.memref_slice %arg5[%mul3A_395] : memref<1024xi32, #tpu.memory_space<vmem>> -> memref<8xi32, #tpu.memory_space<vmem>>
        %dma_start3A_397 = arith.constant 0 : i32
        %dma_start3A_398 = arith.constant 0 : i32
        %dma_start3A_399 = tpu.memref_slice %arg2[%dma_start3A_397, %dma_start3A_398] : memref<8192x1024xf32, #tpu.memory_space<hbm>> -> memref<8192x1024xf32, #tpu.memory_space<hbm>>
        tpu.enqueue_indirect_dma source(%dma_start3A_399 : memref<8192x1024xf32, #tpu.memory_space<hbm>>) target(%arg9 : memref<8x1024xf32, #tpu.memory_space<vmem>>) offsets(%dma_start3A_396 : memref<8xi32, #tpu.memory_space<vmem>>) semaphore(%arg18 : memref<!tpu.dma_semaphore, #tpu.memory_space<semaphore_mem>>)
      } else {
      }
      %add3A_322 = arith.constant 6 : i32
      %add3A_323 = arith.addi %mul3A_110, %add3A_322 : i32
      %mul3A_324 = arith.constant 8 : i32
      %mul3A_325 = arith.muli %add3A_323, %mul3A_324 : i32
      %dma_wait3A_326 = tpu.memref_slice %arg5[%mul3A_325] : memref<1024xi32, #tpu.memory_space<vmem>> -> memref<8xi32, #tpu.memory_space<vmem>>
      %dma_wait3A_327 = arith.constant 0 : i32
      %dma_wait3A_328 = arith.constant 0 : i32
      %dma_wait3A_329 = tpu.memref_slice %arg2[%dma_wait3A_327, %dma_wait3A_328] : memref<8192x1024xf32, #tpu.memory_space<hbm>> -> memref<8192x1024xf32, #tpu.memory_space<hbm>>
      tpu.wait_indirect_dma semaphore(%arg21 : memref<!tpu.dma_semaphore, #tpu.memory_space<semaphore_mem>>) src(%dma_wait3A_329 : memref<8192x1024xf32, #tpu.memory_space<hbm>>) dst(%arg12 : memref<8x1024xf32, #tpu.memory_space<vmem>>)
      %ge3A_330 = arith.constant 4 : i32
      %ge3A_331 = arith.cmpi sge, %add3A_323, %ge3A_330 : i32
      %convert_element_type3A_332 = arith.extui %ge3A_331 : i1 to i32
      %cond3A_333 = arith.constant 0 : i32
      %cond3A_334 = arith.cmpi ne, %convert_element_type3A_332, %cond3A_333 : i32
      scf.if %cond3A_334 {
        %sub3A_394 = arith.constant 4 : i32
        %sub3A_395 = arith.subi %add3A_323, %sub3A_394 : i32
        %mul3A_396 = arith.constant 8 : i32
        %mul3A_397 = arith.muli %sub3A_395, %mul3A_396 : i32
        %add3A_398 = arith.addi %mul3A_2, %mul3A_397 : i32
        %dma_wait3A_399 = arith.constant 2 : i32
        %dma_wait3A_400 = arith.constant 0 : i32
        %dma_wait3A_401 = tpu.memref_slice %arg4[%add3A_398, %dma_wait3A_400] : memref<32768x1024xf32, #tpu.memory_space<hbm>> -> memref<8x1024xf32, #tpu.memory_space<hbm>>
        %dma_wait3A_402 = arith.constant 0 : i32
        %dma_wait3A_403 = arith.constant 0 : i32
        %dma_wait3A_404 = tpu.memref_slice %arg14[%arg1, %dma_wait3A_399, %dma_wait3A_402, %dma_wait3A_403] : memref<16x4x8x1024xf32, #tpu.memory_space<vmem_shared>> -> memref<1x1x8x1024xf32, #tpu.memory_space<vmem_shared>>
        %dma_wait3A_405 = tpu.memref_squeeze %dma_wait3A_404 : memref<1x1x8x1024xf32, #tpu.memory_space<vmem_shared>> -> memref<8x1024xf32, #tpu.memory_space<vmem_shared>>
        tpu.wait_dma2 semaphore(%arg33 : memref<!tpu.dma_semaphore, #tpu.memory_space<semaphore_mem>>) src(%dma_wait3A_405 : memref<8x1024xf32, #tpu.memory_space<vmem_shared>>) dst(%dma_wait3A_401 : memref<8x1024xf32, #tpu.memory_space<hbm>>)
      } else {
      }
      %dma_start3A_335 = arith.constant 2 : i32
      %dma_start3A_336 = arith.constant 0 : i32
      %dma_start3A_337 = arith.constant 0 : i32
      %dma_start3A_338 = tpu.memref_slice %arg14[%arg1, %dma_start3A_335, %dma_start3A_336, %dma_start3A_337] : memref<16x4x8x1024xf32, #tpu.memory_space<vmem_shared>> -> memref<1x1x8x1024xf32, #tpu.memory_space<vmem_shared>>
      %dma_start3A_339 = tpu.memref_squeeze %dma_start3A_338 : memref<1x1x8x1024xf32, #tpu.memory_space<vmem_shared>> -> memref<8x1024xf32, #tpu.memory_space<vmem_shared>>
      %dma_start3A_340 = arith.constant 0 : i32
      %dma_start3A_341 = arith.constant 0 : i32
      %dma_start3A_342 = tpu.memref_slice %arg14[%arg1, %dma_start3A_335, %dma_start3A_340, %dma_start3A_341] : memref<16x4x8x1024xf32, #tpu.memory_space<vmem_shared>> -> memref<1x1x8x1024xf32, #tpu.memory_space<vmem_shared>>
      %dma_start3A_343 = tpu.memref_squeeze %dma_start3A_342 : memref<1x1x8x1024xf32, #tpu.memory_space<vmem_shared>> -> memref<8x1024xf32, #tpu.memory_space<vmem_shared>>
      tpu.enqueue_dma source(%arg12 : memref<8x1024xf32, #tpu.memory_space<vmem>>) target(%dma_start3A_343 : memref<8x1024xf32, #tpu.memory_space<vmem_shared>>) target_semaphore(%arg29 : memref<!tpu.dma_semaphore, #tpu.memory_space<semaphore_mem>>)
      %sub3A_344 = arith.constant 2 : i32
      %sub3A_345 = arith.subi %add3A_323, %sub3A_344 : i32
      %ge3A_346 = arith.constant 0 : i32
      %ge3A_347 = arith.cmpi sge, %sub3A_345, %ge3A_346 : i32
      %convert_element_type3A_348 = arith.extui %ge3A_347 : i1 to i32
      %cond3A_349 = arith.constant 0 : i32
      %cond3A_350 = arith.cmpi ne, %convert_element_type3A_348, %cond3A_349 : i32
      scf.if %cond3A_350 {
        %dma_wait3A_394 = arith.constant 0 : i32
        %dma_wait3A_395 = arith.constant 0 : i32
        %dma_wait3A_396 = arith.constant 0 : i32
        %dma_wait3A_397 = tpu.memref_slice %arg14[%arg1, %dma_wait3A_394, %dma_wait3A_395, %dma_wait3A_396] : memref<16x4x8x1024xf32, #tpu.memory_space<vmem_shared>> -> memref<1x1x8x1024xf32, #tpu.memory_space<vmem_shared>>
        %dma_wait3A_398 = tpu.memref_squeeze %dma_wait3A_397 : memref<1x1x8x1024xf32, #tpu.memory_space<vmem_shared>> -> memref<8x1024xf32, #tpu.memory_space<vmem_shared>>
        %dma_wait3A_399 = arith.constant 0 : i32
        %dma_wait3A_400 = arith.constant 0 : i32
        %dma_wait3A_401 = tpu.memref_slice %arg14[%arg1, %dma_wait3A_394, %dma_wait3A_399, %dma_wait3A_400] : memref<16x4x8x1024xf32, #tpu.memory_space<vmem_shared>> -> memref<1x1x8x1024xf32, #tpu.memory_space<vmem_shared>>
        %dma_wait3A_402 = tpu.memref_squeeze %dma_wait3A_401 : memref<1x1x8x1024xf32, #tpu.memory_space<vmem_shared>> -> memref<8x1024xf32, #tpu.memory_space<vmem_shared>>
        tpu.wait_dma2 semaphore(%arg27 : memref<!tpu.dma_semaphore, #tpu.memory_space<semaphore_mem>>) src(%arg10 : memref<8x1024xf32, #tpu.memory_space<vmem>>) dst(%dma_wait3A_402 : memref<8x1024xf32, #tpu.memory_space<vmem_shared>>)
        %mul3A_403 = arith.constant 8 : i32
        %mul3A_404 = arith.muli %sub3A_345, %mul3A_403 : i32
        %add3A_405 = arith.addi %mul3A_2, %mul3A_404 : i32
        %dma_start3A_406 = arith.constant 0 : i32
        %dma_start3A_407 = arith.constant 0 : i32
        %dma_start3A_408 = tpu.memref_slice %arg4[%add3A_405, %dma_start3A_407] : memref<32768x1024xf32, #tpu.memory_space<hbm>> -> memref<8x1024xf32, #tpu.memory_space<hbm>>
        %dma_start3A_409 = arith.constant 0 : i32
        %dma_start3A_410 = arith.constant 0 : i32
        %dma_start3A_411 = tpu.memref_slice %arg14[%arg1, %dma_start3A_406, %dma_start3A_409, %dma_start3A_410] : memref<16x4x8x1024xf32, #tpu.memory_space<vmem_shared>> -> memref<1x1x8x1024xf32, #tpu.memory_space<vmem_shared>>
        %dma_start3A_412 = tpu.memref_squeeze %dma_start3A_411 : memref<1x1x8x1024xf32, #tpu.memory_space<vmem_shared>> -> memref<8x1024xf32, #tpu.memory_space<vmem_shared>>
        tpu.enqueue_dma source(%dma_start3A_412 : memref<8x1024xf32, #tpu.memory_space<vmem_shared>>) target(%dma_start3A_408 : memref<8x1024xf32, #tpu.memory_space<hbm>>) target_semaphore(%arg31 : memref<!tpu.dma_semaphore, #tpu.memory_space<semaphore_mem>>)
      } else {
      }
      %add3A_351 = arith.constant 6 : i32
      %add3A_352 = arith.addi %add3A_323, %add3A_351 : i32
      %lt3A_353 = arith.constant 128 : i32
      %lt3A_354 = arith.cmpi slt, %add3A_352, %lt3A_353 : i32
      %convert_element_type3A_355 = arith.extui %lt3A_354 : i1 to i32
      %cond3A_356 = arith.constant 0 : i32
      %cond3A_357 = arith.cmpi ne, %convert_element_type3A_355, %cond3A_356 : i32
      scf.if %cond3A_357 {
        %mul3A_394 = arith.constant 8 : i32
        %mul3A_395 = arith.muli %add3A_352, %mul3A_394 : i32
        %dma_start3A_396 = tpu.memref_slice %arg5[%mul3A_395] : memref<1024xi32, #tpu.memory_space<vmem>> -> memref<8xi32, #tpu.memory_space<vmem>>
        %dma_start3A_397 = arith.constant 0 : i32
        %dma_start3A_398 = arith.constant 0 : i32
        %dma_start3A_399 = tpu.memref_slice %arg2[%dma_start3A_397, %dma_start3A_398] : memref<8192x1024xf32, #tpu.memory_space<hbm>> -> memref<8192x1024xf32, #tpu.memory_space<hbm>>
        tpu.enqueue_indirect_dma source(%dma_start3A_399 : memref<8192x1024xf32, #tpu.memory_space<hbm>>) target(%arg10 : memref<8x1024xf32, #tpu.memory_space<vmem>>) offsets(%dma_start3A_396 : memref<8xi32, #tpu.memory_space<vmem>>) semaphore(%arg19 : memref<!tpu.dma_semaphore, #tpu.memory_space<semaphore_mem>>)
      } else {
      }
      %add3A_358 = arith.constant 7 : i32
      %add3A_359 = arith.addi %mul3A_110, %add3A_358 : i32
      %mul3A_360 = arith.constant 8 : i32
      %mul3A_361 = arith.muli %add3A_359, %mul3A_360 : i32
      %dma_wait3A_362 = tpu.memref_slice %arg5[%mul3A_361] : memref<1024xi32, #tpu.memory_space<vmem>> -> memref<8xi32, #tpu.memory_space<vmem>>
      %dma_wait3A_363 = arith.constant 0 : i32
      %dma_wait3A_364 = arith.constant 0 : i32
      %dma_wait3A_365 = tpu.memref_slice %arg2[%dma_wait3A_363, %dma_wait3A_364] : memref<8192x1024xf32, #tpu.memory_space<hbm>> -> memref<8192x1024xf32, #tpu.memory_space<hbm>>
      tpu.wait_indirect_dma semaphore(%arg22 : memref<!tpu.dma_semaphore, #tpu.memory_space<semaphore_mem>>) src(%dma_wait3A_365 : memref<8192x1024xf32, #tpu.memory_space<hbm>>) dst(%arg13 : memref<8x1024xf32, #tpu.memory_space<vmem>>)
      %ge3A_366 = arith.constant 4 : i32
      %ge3A_367 = arith.cmpi sge, %add3A_359, %ge3A_366 : i32
      %convert_element_type3A_368 = arith.extui %ge3A_367 : i1 to i32
      %cond3A_369 = arith.constant 0 : i32
      %cond3A_370 = arith.cmpi ne, %convert_element_type3A_368, %cond3A_369 : i32
      scf.if %cond3A_370 {
        %sub3A_394 = arith.constant 4 : i32
        %sub3A_395 = arith.subi %add3A_359, %sub3A_394 : i32
        %mul3A_396 = arith.constant 8 : i32
        %mul3A_397 = arith.muli %sub3A_395, %mul3A_396 : i32
        %add3A_398 = arith.addi %mul3A_2, %mul3A_397 : i32
        %dma_wait3A_399 = arith.constant 3 : i32
        %dma_wait3A_400 = arith.constant 0 : i32
        %dma_wait3A_401 = tpu.memref_slice %arg4[%add3A_398, %dma_wait3A_400] : memref<32768x1024xf32, #tpu.memory_space<hbm>> -> memref<8x1024xf32, #tpu.memory_space<hbm>>
        %dma_wait3A_402 = arith.constant 0 : i32
        %dma_wait3A_403 = arith.constant 0 : i32
        %dma_wait3A_404 = tpu.memref_slice %arg14[%arg1, %dma_wait3A_399, %dma_wait3A_402, %dma_wait3A_403] : memref<16x4x8x1024xf32, #tpu.memory_space<vmem_shared>> -> memref<1x1x8x1024xf32, #tpu.memory_space<vmem_shared>>
        %dma_wait3A_405 = tpu.memref_squeeze %dma_wait3A_404 : memref<1x1x8x1024xf32, #tpu.memory_space<vmem_shared>> -> memref<8x1024xf32, #tpu.memory_space<vmem_shared>>
        tpu.wait_dma2 semaphore(%arg34 : memref<!tpu.dma_semaphore, #tpu.memory_space<semaphore_mem>>) src(%dma_wait3A_405 : memref<8x1024xf32, #tpu.memory_space<vmem_shared>>) dst(%dma_wait3A_401 : memref<8x1024xf32, #tpu.memory_space<hbm>>)
      } else {
      }
      %dma_start3A_371 = arith.constant 3 : i32
      %dma_start3A_372 = arith.constant 0 : i32
      %dma_start3A_373 = arith.constant 0 : i32
      %dma_start3A_374 = tpu.memref_slice %arg14[%arg1, %dma_start3A_371, %dma_start3A_372, %dma_start3A_373] : memref<16x4x8x1024xf32, #tpu.memory_space<vmem_shared>> -> memref<1x1x8x1024xf32, #tpu.memory_space<vmem_shared>>
      %dma_start3A_375 = tpu.memref_squeeze %dma_start3A_374 : memref<1x1x8x1024xf32, #tpu.memory_space<vmem_shared>> -> memref<8x1024xf32, #tpu.memory_space<vmem_shared>>
      %dma_start3A_376 = arith.constant 0 : i32
      %dma_start3A_377 = arith.constant 0 : i32
      %dma_start3A_378 = tpu.memref_slice %arg14[%arg1, %dma_start3A_371, %dma_start3A_376, %dma_start3A_377] : memref<16x4x8x1024xf32, #tpu.memory_space<vmem_shared>> -> memref<1x1x8x1024xf32, #tpu.memory_space<vmem_shared>>
      %dma_start3A_379 = tpu.memref_squeeze %dma_start3A_378 : memref<1x1x8x1024xf32, #tpu.memory_space<vmem_shared>> -> memref<8x1024xf32, #tpu.memory_space<vmem_shared>>
      tpu.enqueue_dma source(%arg13 : memref<8x1024xf32, #tpu.memory_space<vmem>>) target(%dma_start3A_379 : memref<8x1024xf32, #tpu.memory_space<vmem_shared>>) target_semaphore(%arg30 : memref<!tpu.dma_semaphore, #tpu.memory_space<semaphore_mem>>)
      %sub3A_380 = arith.constant 2 : i32
      %sub3A_381 = arith.subi %add3A_359, %sub3A_380 : i32
      %ge3A_382 = arith.constant 0 : i32
      %ge3A_383 = arith.cmpi sge, %sub3A_381, %ge3A_382 : i32
      %convert_element_type3A_384 = arith.extui %ge3A_383 : i1 to i32
      %cond3A_385 = arith.constant 0 : i32
      %cond3A_386 = arith.cmpi ne, %convert_element_type3A_384, %cond3A_385 : i32
      scf.if %cond3A_386 {
        %dma_wait3A_394 = arith.constant 1 : i32
        %dma_wait3A_395 = arith.constant 0 : i32
        %dma_wait3A_396 = arith.constant 0 : i32
        %dma_wait3A_397 = tpu.memref_slice %arg14[%arg1, %dma_wait3A_394, %dma_wait3A_395, %dma_wait3A_396] : memref<16x4x8x1024xf32, #tpu.memory_space<vmem_shared>> -> memref<1x1x8x1024xf32, #tpu.memory_space<vmem_shared>>
        %dma_wait3A_398 = tpu.memref_squeeze %dma_wait3A_397 : memref<1x1x8x1024xf32, #tpu.memory_space<vmem_shared>> -> memref<8x1024xf32, #tpu.memory_space<vmem_shared>>
        %dma_wait3A_399 = arith.constant 0 : i32
        %dma_wait3A_400 = arith.constant 0 : i32
        %dma_wait3A_401 = tpu.memref_slice %arg14[%arg1, %dma_wait3A_394, %dma_wait3A_399, %dma_wait3A_400] : memref<16x4x8x1024xf32, #tpu.memory_space<vmem_shared>> -> memref<1x1x8x1024xf32, #tpu.memory_space<vmem_shared>>
        %dma_wait3A_402 = tpu.memref_squeeze %dma_wait3A_401 : memref<1x1x8x1024xf32, #tpu.memory_space<vmem_shared>> -> memref<8x1024xf32, #tpu.memory_space<vmem_shared>>
        tpu.wait_dma2 semaphore(%arg28 : memref<!tpu.dma_semaphore, #tpu.memory_space<semaphore_mem>>) src(%arg11 : memref<8x1024xf32, #tpu.memory_space<vmem>>) dst(%dma_wait3A_402 : memref<8x1024xf32, #tpu.memory_space<vmem_shared>>)
        %mul3A_403 = arith.constant 8 : i32
        %mul3A_404 = arith.muli %sub3A_381, %mul3A_403 : i32
        %add3A_405 = arith.addi %mul3A_2, %mul3A_404 : i32
        %dma_start3A_406 = arith.constant 1 : i32
        %dma_start3A_407 = arith.constant 0 : i32
        %dma_start3A_408 = tpu.memref_slice %arg4[%add3A_405, %dma_start3A_407] : memref<32768x1024xf32, #tpu.memory_space<hbm>> -> memref<8x1024xf32, #tpu.memory_space<hbm>>
        %dma_start3A_409 = arith.constant 0 : i32
        %dma_start3A_410 = arith.constant 0 : i32
        %dma_start3A_411 = tpu.memref_slice %arg14[%arg1, %dma_start3A_406, %dma_start3A_409, %dma_start3A_410] : memref<16x4x8x1024xf32, #tpu.memory_space<vmem_shared>> -> memref<1x1x8x1024xf32, #tpu.memory_space<vmem_shared>>
        %dma_start3A_412 = tpu.memref_squeeze %dma_start3A_411 : memref<1x1x8x1024xf32, #tpu.memory_space<vmem_shared>> -> memref<8x1024xf32, #tpu.memory_space<vmem_shared>>
        tpu.enqueue_dma source(%dma_start3A_412 : memref<8x1024xf32, #tpu.memory_space<vmem_shared>>) target(%dma_start3A_408 : memref<8x1024xf32, #tpu.memory_space<hbm>>) target_semaphore(%arg32 : memref<!tpu.dma_semaphore, #tpu.memory_space<semaphore_mem>>)
      } else {
      }
      %add3A_387 = arith.constant 6 : i32
      %add3A_388 = arith.addi %add3A_359, %add3A_387 : i32
      %lt3A_389 = arith.constant 128 : i32
      %lt3A_390 = arith.cmpi slt, %add3A_388, %lt3A_389 : i32
      %convert_element_type3A_391 = arith.extui %lt3A_390 : i1 to i32
      %cond3A_392 = arith.constant 0 : i32
      %cond3A_393 = arith.cmpi ne, %convert_element_type3A_391, %cond3A_392 : i32
      scf.if %cond3A_393 {
        %mul3A_394 = arith.constant 8 : i32
        %mul3A_395 = arith.muli %add3A_388, %mul3A_394 : i32
        %dma_start3A_396 = tpu.memref_slice %arg5[%mul3A_395] : memref<1024xi32, #tpu.memory_space<vmem>> -> memref<8xi32, #tpu.memory_space<vmem>>
        %dma_start3A_397 = arith.constant 0 : i32
        %dma_start3A_398 = arith.constant 0 : i32
        %dma_start3A_399 = tpu.memref_slice %arg2[%dma_start3A_397, %dma_start3A_398] : memref<8192x1024xf32, #tpu.memory_space<hbm>> -> memref<8192x1024xf32, #tpu.memory_space<hbm>>
        tpu.enqueue_indirect_dma source(%dma_start3A_399 : memref<8192x1024xf32, #tpu.memory_space<hbm>>) target(%arg11 : memref<8x1024xf32, #tpu.memory_space<vmem>>) offsets(%dma_start3A_396 : memref<8xi32, #tpu.memory_space<vmem>>) semaphore(%arg20 : memref<!tpu.dma_semaphore, #tpu.memory_space<semaphore_mem>>)
      } else {
      }
    }
    %scan3A_36 = arith.constant 16 : i32
    %dma_wait3A = arith.constant 2 : i32
    %dma_wait3A_37 = arith.constant 0 : i32
    %dma_wait3A_38 = arith.constant 0 : i32
    %dma_wait3A_39 = tpu.memref_slice %arg14[%arg1, %dma_wait3A, %dma_wait3A_37, %dma_wait3A_38] : memref<16x4x8x1024xf32, #tpu.memory_space<vmem_shared>> -> memref<1x1x8x1024xf32, #tpu.memory_space<vmem_shared>>
    %dma_wait3A_40 = tpu.memref_squeeze %dma_wait3A_39 : memref<1x1x8x1024xf32, #tpu.memory_space<vmem_shared>> -> memref<8x1024xf32, #tpu.memory_space<vmem_shared>>
    %dma_wait3A_41 = arith.constant 0 : i32
    %dma_wait3A_42 = arith.constant 0 : i32
    %dma_wait3A_43 = tpu.memref_slice %arg14[%arg1, %dma_wait3A, %dma_wait3A_41, %dma_wait3A_42] : memref<16x4x8x1024xf32, #tpu.memory_space<vmem_shared>> -> memref<1x1x8x1024xf32, #tpu.memory_space<vmem_shared>>
    %dma_wait3A_44 = tpu.memref_squeeze %dma_wait3A_43 : memref<1x1x8x1024xf32, #tpu.memory_space<vmem_shared>> -> memref<8x1024xf32, #tpu.memory_space<vmem_shared>>
    tpu.wait_dma2 semaphore(%arg29 : memref<!tpu.dma_semaphore, #tpu.memory_space<semaphore_mem>>) src(%arg12 : memref<8x1024xf32, #tpu.memory_space<vmem>>) dst(%dma_wait3A_44 : memref<8x1024xf32, #tpu.memory_space<vmem_shared>>)
    %add3A_45 = arith.constant 1008 : i32
    %add3A_46 = arith.addi %mul3A_2, %add3A_45 : i32
    %dma_start3A_47 = arith.constant 2 : i32
    %dma_start3A_48 = arith.constant 0 : i32
    %dma_start3A_49 = tpu.memref_slice %arg4[%add3A_46, %dma_start3A_48] : memref<32768x1024xf32, #tpu.memory_space<hbm>> -> memref<8x1024xf32, #tpu.memory_space<hbm>>
    %dma_start3A_50 = arith.constant 0 : i32
    %dma_start3A_51 = arith.constant 0 : i32
    %dma_start3A_52 = tpu.memref_slice %arg14[%arg1, %dma_start3A_47, %dma_start3A_50, %dma_start3A_51] : memref<16x4x8x1024xf32, #tpu.memory_space<vmem_shared>> -> memref<1x1x8x1024xf32, #tpu.memory_space<vmem_shared>>
    %dma_start3A_53 = tpu.memref_squeeze %dma_start3A_52 : memref<1x1x8x1024xf32, #tpu.memory_space<vmem_shared>> -> memref<8x1024xf32, #tpu.memory_space<vmem_shared>>
    tpu.enqueue_dma source(%dma_start3A_53 : memref<8x1024xf32, #tpu.memory_space<vmem_shared>>) target(%dma_start3A_49 : memref<8x1024xf32, #tpu.memory_space<hbm>>) target_semaphore(%arg33 : memref<!tpu.dma_semaphore, #tpu.memory_space<semaphore_mem>>)
    %dma_wait3A_54 = arith.constant 3 : i32
    %dma_wait3A_55 = arith.constant 0 : i32
    %dma_wait3A_56 = arith.constant 0 : i32
    %dma_wait3A_57 = tpu.memref_slice %arg14[%arg1, %dma_wait3A_54, %dma_wait3A_55, %dma_wait3A_56] : memref<16x4x8x1024xf32, #tpu.memory_space<vmem_shared>> -> memref<1x1x8x1024xf32, #tpu.memory_space<vmem_shared>>
    %dma_wait3A_58 = tpu.memref_squeeze %dma_wait3A_57 : memref<1x1x8x1024xf32, #tpu.memory_space<vmem_shared>> -> memref<8x1024xf32, #tpu.memory_space<vmem_shared>>
    %dma_wait3A_59 = arith.constant 0 : i32
    %dma_wait3A_60 = arith.constant 0 : i32
    %dma_wait3A_61 = tpu.memref_slice %arg14[%arg1, %dma_wait3A_54, %dma_wait3A_59, %dma_wait3A_60] : memref<16x4x8x1024xf32, #tpu.memory_space<vmem_shared>> -> memref<1x1x8x1024xf32, #tpu.memory_space<vmem_shared>>
    %dma_wait3A_62 = tpu.memref_squeeze %dma_wait3A_61 : memref<1x1x8x1024xf32, #tpu.memory_space<vmem_shared>> -> memref<8x1024xf32, #tpu.memory_space<vmem_shared>>
    tpu.wait_dma2 semaphore(%arg30 : memref<!tpu.dma_semaphore, #tpu.memory_space<semaphore_mem>>) src(%arg13 : memref<8x1024xf32, #tpu.memory_space<vmem>>) dst(%dma_wait3A_62 : memref<8x1024xf32, #tpu.memory_space<vmem_shared>>)
    %add3A_63 = arith.constant 1016 : i32
    %add3A_64 = arith.addi %mul3A_2, %add3A_63 : i32
    %dma_start3A_65 = arith.constant 3 : i32
    %dma_start3A_66 = arith.constant 0 : i32
    %dma_start3A_67 = tpu.memref_slice %arg4[%add3A_64, %dma_start3A_66] : memref<32768x1024xf32, #tpu.memory_space<hbm>> -> memref<8x1024xf32, #tpu.memory_space<hbm>>
    %dma_start3A_68 = arith.constant 0 : i32
    %dma_start3A_69 = arith.constant 0 : i32
    %dma_start3A_70 = tpu.memref_slice %arg14[%arg1, %dma_start3A_65, %dma_start3A_68, %dma_start3A_69] : memref<16x4x8x1024xf32, #tpu.memory_space<vmem_shared>> -> memref<1x1x8x1024xf32, #tpu.memory_space<vmem_shared>>
    %dma_start3A_71 = tpu.memref_squeeze %dma_start3A_70 : memref<1x1x8x1024xf32, #tpu.memory_space<vmem_shared>> -> memref<8x1024xf32, #tpu.memory_space<vmem_shared>>
    tpu.enqueue_dma source(%dma_start3A_71 : memref<8x1024xf32, #tpu.memory_space<vmem_shared>>) target(%dma_start3A_67 : memref<8x1024xf32, #tpu.memory_space<hbm>>) target_semaphore(%arg34 : memref<!tpu.dma_semaphore, #tpu.memory_space<semaphore_mem>>)
    %add3A_72 = arith.constant 992 : i32
    %add3A_73 = arith.addi %mul3A_2, %add3A_72 : i32
    %dma_wait3A_74 = arith.constant 0 : i32
    %dma_wait3A_75 = arith.constant 0 : i32
    %dma_wait3A_76 = tpu.memref_slice %arg4[%add3A_73, %dma_wait3A_75] : memref<32768x1024xf32, #tpu.memory_space<hbm>> -> memref<8x1024xf32, #tpu.memory_space<hbm>>
    %dma_wait3A_77 = arith.constant 0 : i32
    %dma_wait3A_78 = arith.constant 0 : i32
    %dma_wait3A_79 = tpu.memref_slice %arg14[%arg1, %dma_wait3A_74, %dma_wait3A_77, %dma_wait3A_78] : memref<16x4x8x1024xf32, #tpu.memory_space<vmem_shared>> -> memref<1x1x8x1024xf32, #tpu.memory_space<vmem_shared>>
    %dma_wait3A_80 = tpu.memref_squeeze %dma_wait3A_79 : memref<1x1x8x1024xf32, #tpu.memory_space<vmem_shared>> -> memref<8x1024xf32, #tpu.memory_space<vmem_shared>>
    tpu.wait_dma2 semaphore(%arg31 : memref<!tpu.dma_semaphore, #tpu.memory_space<semaphore_mem>>) src(%dma_wait3A_80 : memref<8x1024xf32, #tpu.memory_space<vmem_shared>>) dst(%dma_wait3A_76 : memref<8x1024xf32, #tpu.memory_space<hbm>>)
    %add3A_81 = arith.constant 1000 : i32
    %add3A_82 = arith.addi %mul3A_2, %add3A_81 : i32
    %dma_wait3A_83 = arith.constant 1 : i32
    %dma_wait3A_84 = arith.constant 0 : i32
    %dma_wait3A_85 = tpu.memref_slice %arg4[%add3A_82, %dma_wait3A_84] : memref<32768x1024xf32, #tpu.memory_space<hbm>> -> memref<8x1024xf32, #tpu.memory_space<hbm>>
    %dma_wait3A_86 = arith.constant 0 : i32
    %dma_wait3A_87 = arith.constant 0 : i32
    %dma_wait3A_88 = tpu.memref_slice %arg14[%arg1, %dma_wait3A_83, %dma_wait3A_86, %dma_wait3A_87] : memref<16x4x8x1024xf32, #tpu.memory_space<vmem_shared>> -> memref<1x1x8x1024xf32, #tpu.memory_space<vmem_shared>>
    %dma_wait3A_89 = tpu.memref_squeeze %dma_wait3A_88 : memref<1x1x8x1024xf32, #tpu.memory_space<vmem_shared>> -> memref<8x1024xf32, #tpu.memory_space<vmem_shared>>
    tpu.wait_dma2 semaphore(%arg32 : memref<!tpu.dma_semaphore, #tpu.memory_space<semaphore_mem>>) src(%dma_wait3A_89 : memref<8x1024xf32, #tpu.memory_space<vmem_shared>>) dst(%dma_wait3A_85 : memref<8x1024xf32, #tpu.memory_space<hbm>>)
    %add3A_90 = arith.constant 1008 : i32
    %add3A_91 = arith.addi %mul3A_2, %add3A_90 : i32
    %dma_wait3A_92 = arith.constant 2 : i32
    %dma_wait3A_93 = arith.constant 0 : i32
    %dma_wait3A_94 = tpu.memref_slice %arg4[%add3A_91, %dma_wait3A_93] : memref<32768x1024xf32, #tpu.memory_space<hbm>> -> memref<8x1024xf32, #tpu.memory_space<hbm>>
    %dma_wait3A_95 = arith.constant 0 : i32
    %dma_wait3A_96 = arith.constant 0 : i32
    %dma_wait3A_97 = tpu.memref_slice %arg14[%arg1, %dma_wait3A_92, %dma_wait3A_95, %dma_wait3A_96] : memref<16x4x8x1024xf32, #tpu.memory_space<vmem_shared>> -> memref<1x1x8x1024xf32, #tpu.memory_space<vmem_shared>>
    %dma_wait3A_98 = tpu.memref_squeeze %dma_wait3A_97 : memref<1x1x8x1024xf32, #tpu.memory_space<vmem_shared>> -> memref<8x1024xf32, #tpu.memory_space<vmem_shared>>
    tpu.wait_dma2 semaphore(%arg33 : memref<!tpu.dma_semaphore, #tpu.memory_space<semaphore_mem>>) src(%dma_wait3A_98 : memref<8x1024xf32, #tpu.memory_space<vmem_shared>>) dst(%dma_wait3A_94 : memref<8x1024xf32, #tpu.memory_space<hbm>>)
    %add3A_99 = arith.constant 1016 : i32
    %add3A_100 = arith.addi %mul3A_2, %add3A_99 : i32
    %dma_wait3A_101 = arith.constant 3 : i32
    %dma_wait3A_102 = arith.constant 0 : i32
    %dma_wait3A_103 = tpu.memref_slice %arg4[%add3A_100, %dma_wait3A_102] : memref<32768x1024xf32, #tpu.memory_space<hbm>> -> memref<8x1024xf32, #tpu.memory_space<hbm>>
    %dma_wait3A_104 = arith.constant 0 : i32
    %dma_wait3A_105 = arith.constant 0 : i32
    %dma_wait3A_106 = tpu.memref_slice %arg14[%arg1, %dma_wait3A_101, %dma_wait3A_104, %dma_wait3A_105] : memref<16x4x8x1024xf32, #tpu.memory_space<vmem_shared>> -> memref<1x1x8x1024xf32, #tpu.memory_space<vmem_shared>>
    %dma_wait3A_107 = tpu.memref_squeeze %dma_wait3A_106 : memref<1x1x8x1024xf32, #tpu.memory_space<vmem_shared>> -> memref<8x1024xf32, #tpu.memory_space<vmem_shared>>
    tpu.wait_dma2 semaphore(%arg34 : memref<!tpu.dma_semaphore, #tpu.memory_space<semaphore_mem>>) src(%dma_wait3A_107 : memref<8x1024xf32, #tpu.memory_space<vmem_shared>>) dst(%dma_wait3A_103 : memref<8x1024xf32, #tpu.memory_space<hbm>>)
    return
  }
}

</mosaic_0001>

<sc_bundles>
// kernel: kernel.3.cloned.1.call-start
scs
__scs_entry_jumppad:
0x0: {  	(pc) =	sbr.rel $0x88, $3  }
0x1: {  	(tag) =	ssettag $0x0;
	lr =	simm.s32 $0x1  }
0x2: {  	[smem:$0x3F9F] =	sst lr;
	_ =	strace $0xD0000000  }
0x3: {  	_ = 	snop  }
0x4: {  	_ = 	snop  }
0x5: {  	_ = 	snop  }
0x6: {  	_ = 	snop  }
0x7: {  	_ = 	snop  }
__scs_overlays_trampoline_lowered:
0x8: {  	[smem:$0x3FAE] =	sst s0  }
0x9: {  	[smem:$0x3FAF] =	sst s1  }
0xa: {  	[smem:$0x3FB0] =	sst s2  }
0xb: {  	[smem:$0x3FB1] =	sst s3  }
0xc: {  	[smem:$0x3FB2] =	sst s4  }
0xd: {  	[smem:$0x3FB3] =	sst s5  }
0xe: {  	[smem:$0x3FB4] =	sst s6  }
0xf: {  	[smem:$0x3FB5] =	sst s7  }
0x10: {  	[smem:$0x3FB6] =	sst s8  }
0x11: {  	[smem:$0x3FB7] =	sst s9;
	s0 =	simm.s32 @!p0 $0x0  }
0x12: {  	s1 =	sld [smem:$0x3F9D];
	s0 =	simm.s32 @p0 $0x1  }
0x13: {  	[smem:$0x3FB8] =	sst s0;
	s0 =	simm.s32 @!p1 $0x0  }
0x14: {  	s2 =	sld [smem:$0x3F9C];
	s0 =	simm.s32 @p1 $0x1  }
0x15: {  	[smem:$0x3FB9] =	sst s0;
	s0 =	simm.s32 @!p2 $0x0  }
0x16: {  	s3 =	sld [smem:$0x3FDB];
	s0 =	simm.s32 @p2 $0x1  }
0x17: {  	s4 =	simm.s32 $0x1BF5;
	[smem:$0x3FBB] =	sst s0  }
0x18: {  	s0 =	sld [smem:$0x3F9E];
	_ =	swait.ge [sflag:s4], $0x0  }
0x19: {  	s7 =	sld [smem:$0x3F9F]  }
0x1a: {  	s8 =	sadd.s32 $0xFFFFE003, lr  }
0x1b: {  	s9 =	sadd.s32 $0xFFFFFEF7, lr;
	s5 =	simm.s32 $0xFFFFFFFF;
	p2 =	slt.u32 s8, $0xFFFFF086  }
0x1c: {  	p1 =	slt.u32 s9, $0xF7A;
	s5 =	simm.s32 @!p2 $0x0  }
0x1d: {  	s5 =	simm.s32 @p1 $0x1;
	p0 =	seq.s32 s7, s2  }
0x1e: {  	s7 =	smul.u32 @!p0 $0xF7A, s2;
	p2 =	seq.s32 @!p0 s5, $0x0  }
0x1f: {  	s9 =	smul.u32 $0xF7A, s1;
	s8 =	simm.s32 @!p0 $0x1BF5;
	p2 =	por !p2, p0  }
0x20: {  	[sflag:s8] =	ssyncset.s32 @!p0 $0xFFFFF086;
	s6 =	sadd.s32 @!p0 s3, s7;
	s7 =	simm.s32 @!p0 $0x108  }
0x21: {  	s3 =	sadd.s32 s3, s9;
	s6 =	sadd.s32 @!p0 $0x88, s6;
	s7 =	simm.s32 @p2 $0x1082  }
0x22: {  	[simem:s7], [sflag:s8] =	dma.local @!p0 [hbm:s6], $0xF7A  }
0x23: {  	s9 =	sor.u32 $0xD0000000, s2;
	s6 =	simm.s32 $0x108;
	_ =	swait.ge @!p0 [sflag:s8], $0x0  }
0x24: {  	s3 =	sadd.s32 $0x88, s3;
	s6 =	simm.s32 @!p1 $0x1082;
	[sflag:s4] =	ssyncset.s32 $0xFFFFF086  }
0x25: {  	[simem:s6], [sflag:s4] =	dma.local [hbm:s3], $0xF7A  }
0x26: {  	[smem:$0x3F9F] =	sst s1;
	(tag) =	ssettag s2;
	_ =	strace s9  }
0x27: {  	s1 =	sld [smem:$0x3FAF]  }
0x28: {  	s2 =	sld [smem:$0x3FB0]  }
0x29: {  	s4 =	sld [smem:$0x3FB2]  }
0x2a: {  	p0 =	seq.s32 s5, $0x0;
	s5 =	sld [smem:$0x3FB3]  }
0x2b: {  	s6 =	sld [smem:$0x3FB4]  }
0x2c: {  	s7 =	sld [smem:$0x3FB5]  }
0x2d: {  	s3 =	simm.s32 $0x108;
	s8 =	sld [smem:$0x3FB6]  }
0x2e: {  	s3 =	simm.s32 @!p0 $0x1082;
	s9 =	sld [smem:$0x3FB7]  }
0x2f: {  	lr =	sadd.s32 s0, s3;
	s0 =	sld [smem:$0x3FAE]  }
0x30: {  	s3 =	sld [smem:$0x3FB1]  }
0x31: {  	[smem:$0x3FBA] =	sst s10  }
0x32: {  	s10 =	sld [smem:$0x3FB8];
	_ =	sdelay $0x3  }
0x33: {  	p0 =	seq.s32 s10, $0x1;
	s10 =	sld [smem:$0x3FBA];
	_ =	sdelay $0x3  }
0x34: {  	[smem:$0x3FBA] =	sst s10  }
0x35: {  	s10 =	sld [smem:$0x3FB9];
	_ =	sdelay $0x3  }
0x36: {  	p1 =	seq.s32 s10, $0x1;
	s10 =	sld [smem:$0x3FBA];
	_ =	sdelay $0x3  }
0x37: {  	[smem:$0x3FBA] =	sst s10  }
0x38: {  	s10 =	sld [smem:$0x3FBB]  }
0x39: {  	_ = 	snop;
	(pc) =	sbr.ind lr, $3  }
0x3a: {  	_ = 	snop  }
0x3b: {  	_ = 	snop  }
0x3c: {  	p2 =	seq.s32 s10, $0x1;
	s10 =	sld [smem:$0x3FBA]  }
0x3d: {  	_ =	shalt  }
0x3e: {  	_ =	shalt  }
0x3f: {  	_ =	shalt  }
0x40: {  	_ =	shalt  }
0x41: {  	_ =	shalt  }
0x42: {  	_ =	shalt  }
0x43: {  	_ =	shalt  }
0x44: {  	_ =	shalt  }
0x45: {  	_ =	shalt  }
0x46: {  	_ =	shalt  }
0x47: {  	_ =	shalt  }
0x48: {  	_ =	shalt  }
0x49: {  	_ =	shalt  }
0x4a: {  	_ =	shalt  }
0x4b: {  	_ =	shalt  }
0x4c: {  	_ =	shalt  }
0x4d: {  	_ =	shalt  }
0x4e: {  	_ =	shalt  }
0x4f: {  	_ =	shalt  }
0x50: {  	_ =	shalt  }
0x51: {  	_ =	shalt  }
0x52: {  	_ =	shalt  }
0x53: {  	_ =	shalt  }
0x54: {  	_ =	shalt  }
0x55: {  	_ =	shalt  }
0x56: {  	_ =	shalt  }
0x57: {  	_ =	shalt  }
0x58: {  	_ =	shalt  }
0x59: {  	_ =	shalt  }
0x5a: {  	_ =	shalt  }
0x5b: {  	_ =	shalt  }
0x5c: {  	_ =	shalt  }
0x5d: {  	_ =	shalt  }
0x5e: {  	_ =	shalt  }
0x5f: {  	_ =	shalt  }
0x60: {  	_ =	shalt  }
0x61: {  	_ =	shalt  }
0x62: {  	_ =	shalt  }
0x63: {  	_ =	shalt  }
0x64: {  	_ =	shalt  }
0x65: {  	_ =	shalt  }
0x66: {  	_ =	shalt  }
0x67: {  	_ =	shalt  }
0x68: {  	_ =	shalt  }
0x69: {  	_ =	shalt  }
0x6a: {  	_ =	shalt  }
0x6b: {  	_ =	shalt  }
0x6c: {  	_ =	shalt  }
0x6d: {  	_ =	shalt  }
0x6e: {  	_ =	shalt  }
0x6f: {  	_ =	shalt  }
0x70: {  	_ =	shalt  }
0x71: {  	_ =	shalt  }
0x72: {  	_ =	shalt  }
0x73: {  	_ =	shalt  }
0x74: {  	_ =	shalt  }
0x75: {  	_ =	shalt  }
0x76: {  	_ =	shalt  }
0x77: {  	_ =	shalt  }
0x78: {  	_ =	shalt  }
0x79: {  	_ =	shalt  }
0x7a: {  	_ =	shalt  }
0x7b: {  	_ =	shalt  }
0x7c: {  	_ =	shalt  }
0x7d: {  	_ =	shalt  }
0x7e: {  	_ =	shalt  }
0x7f: {  	_ =	shalt  }
0x80: {  	_ =	shalt  }
0x81: {  	_ =	shalt  }
0x82: {  	_ =	shalt  }
0x83: {  	_ =	shalt  }
0x84: {  	_ =	shalt  }
0x85: {  	_ =	shalt  }
0x86: {  	_ =	shalt  }
0x87: {  	_ =	shalt  }
.Lfunc_end0:
.L_simem_size_0:
called_computation_lowered:
.L_overlay_start_0:
0x88: {  	s2 =	sld [smem:$0x3FD9]  }
0x89: {  	s3 =	sld [smem:$0x3FFE];
	_ =	sdelay $0x1  }
0x8a: {  	s1 =	srdreg.scid  }
0x8b: {  	s0 =	sand.u32 $0x1, s1  }
0x8c: {  	s17 =	sshll.u32 s0, $0xA;
	s2 =	sadd.s32 s3, s2  }
0x8d: {  	s2 =	sadd.s32 s2, s17  }
0x8e: {  	[smem:$0x3FC6] =	sst s2  }
0x8f: {  	_ = 	snop  }
0x90: {  	s2 =	sld [smem:$0x3FC8]  }
0x91: {  	s18 =	sld [smem:$0x3FD0];
	(tm) =	ssettm $0x1  }
0x92: {  	s4 =	sld [smem:$0x3FFB];
	_ =	sdelay $0x3  }
0x93: {  	_ =	strace s4  }
0x94: {  	s4 =	sld [smem:$0x3FFC];
	_ =	sdelay $0x3  }
0x95: {  	_ =	strace s4  }
0x96: {  	s4 =	sld [smem:$0x3FFD];
	_ =	sdelay $0x3  }
0x97: {  	_ =	strace s4  }
0x98: {  	_ =	strace $0x8FFFFFFF  }
0x99: {  	s19 =	sld [smem:$0x3FDB];
	_ =	sdelay $0x1  }
0x9a: {  	s5 =	simm.s32 $_scs_section_size  }
0x9b: {  	s6 =	simm.s32 $_size__tile_overlayer_lowered;
	s7 =	simm.s32 $_tile_overlayer_lowered  }
0x9c: {  	s22 =	simm.s32 $0x1BFF;
	s21 =	sshll.u32 s7, $0x1;
	s4 =	sadd.s32 s5, s19  }
0x9d: {  	s8 =	simm.s32 $0x0;
	s20 =	sshll.u32 s6, $0x1;
	s6 =	sadd.s32 s21, s4  }
0x9e: {  	[timem:s8], [sflag:s22] =	dma.local [hbm:s6], s20  }
0x9f: {  	_ =	swait.ge [sflag:s22], s20  }
0xa0: {  	s5 =	ssub.s32 $0x0, s20;
	[sflag:s22] =	ssyncset.done $0x0  }
0xa1: {  	[sflag:s22] =	ssyncadd.s32 s5;
	_ =	sdelay $0x1  }
0xa2: {  	s23 =	simm.s32 $0x1B8B  }
0xa3: {  	_ =	swait.ge [sflag:s23], $0x1  }
0xa4: {  	[sflag:s23] =	ssyncset.done $0x0  }
0xa5: {  	s25 =	simm.s32 $0x1B8E;
	s24 =	sld [smem:$0x3FFE];
	[sflag:s23] =	ssyncadd.s32 $0xFFFFFFFF  }
0xa6: {  	s26 =	simm.s32 $execute0_lowered;
	[smem:$0x3FD2] =	sst s25  }
0xa7: {  	s6 =	sshll.u32 s26, $0x1;
	_ =	strace $0x80000046;
	[dreg:$0x1] =	wrdreg $0xFFFFFFFF  }
0xa8: {  	s28 =	simm.s32 $_size_execute0_lowered;
	s4 =	sadd.s32 s4, s6;
	[dreg:$0x0] =	wrdreg $0x0  }
0xa9: {  	s6 =	sshll.u32 s28, $0x1;
	[dreg:$0x2] =	wrdreg s4  }
0xaa: {  	[dreg:$0x3] =	wrdreg s6  }
0xab: {  	[dreg:$0x4] =	wrdreg $0xC0  }
0xac: {  	_ =	task [dreg:s8], $0x5FFFF  }
0xad: {  	[dreg:$0x1] =	wrdreg $0xFFFFFFFF  }
0xae: {  	[dreg:$0x0] =	wrdreg $0x60  }
0xaf: {  	[dreg:$0x2] =	wrdreg s2  }
0xb0: {  	[dreg:$0x3] =	wrdreg s24  }
0xb1: {  	[dreg:$0x4] =	wrdreg s18  }
0xb2: {  	[dreg:$0x5] =	wrdreg $0x104000  }
0xb3: {  	[dreg:$0x6] =	wrdreg $0x9  }
0xb4: {  	_ =	task.clear_ibuf [dreg:s8], $0x7FFFF;
	_ =	strace $0x90000046  }
0xb5: {  	s29 =	simm.s32 $0x9;
	_ =	strace $0x80000048  }
0xb6: {  	_ =	swait.ge [sflag:s29], $0x1  }
0xb7: {  	[sflag:s29] =	ssyncadd.s32 $0xFFFFFFFF  }
0xb8: {  	_ =	strace $0x90000048  }
0xb9: {  	_ =	sfence  }
0xba: {  	s30 =	sld [smem:$0x0];
	_ =	sdelay $0x2  }
0xbb: {  	s31 =	sshll.u32 s1, $0xD;
	s1 =	sshrl.u32 s1, $0x2  }
0xbc: {  	s3 =	sand.u32 $0x4000, s31;
	s1 =	sadd.s32 s1, s30  }
0xbd: {  	s0 =	sor.u32 s3, s0;
	s1 =	sshll.u32 s1, $0x11  }
0xbe: {  	s0 =	sor.u32 s1, s0  }
0xbf: {  	s0 =	sadd.s32 $0x8F2B, s0  }
0xc0: {  	[sflag:s0] =	ssyncadd.remote.s32 $0x1  }
0xc1: {  	_ =	sfence.sel $0xFFFF  }
0xc2: {  	[dreg:$0x0] =	wrdreg $0xFFFFFFFF;
	(pc) =	sbr.abs _section_cstart, $3  }
0xc3: {  	[dreg:$0x1] =	wrdreg $0xFFFFFFFF  }
0xc4: {  	_ =	task.clear_ibuf [dreg:s8], $0x2FFFF;
	_ =	strace $0x9FFFFFFF  }
0xc5: {  	(tm) =	ssettm $0x7FFFFFFF  }
tec
execute0_lowered:
.L_overlay_start_1:
0x0: {  	(tag) =	ssettag $0x1  }
0x1: {  	s1 =	rddreg [dreg:$0x0]  }
0x2: {  	s0 =	rddreg [dreg:$0x1];
	s2 =	srdreg.scid  }
0x3: {  	s14 =	rddreg [dreg:$0x2];
	s13 =	stileid.u32  }
0x4: {  	s3 =	rddreg [dreg:$0x3];
	s28 =	simm.s32 $0xE400;
	s20 =	simm.s32 $0x7  }
0x5: {  	s21 =	simm.s32 $0x13;
	s16 =	simm.s32 $0xE;
	s19 =	simm.s32 $0xA400  }
0x6: {  	s2 =	sand.u32 $0x1, s2;
	s4 =	sshll.u32 s13, $0xB;
	s24 =	sshll.u32 s13, $0xF  }
0x7: {  	s9 =	sadd.s32 $0x300, s1;
	s29 =	sshll.u32 s13, $0x12;
	s13 =	simm.s32 $0x0  }
0x8: {  	s5 =	sshll.u32 s2, $0xA;
	s7 =	ssub.s32 $0x2, s2;
	s8 =	sadd.s32 s24, s3  }
0x9: {  	s31 =	sadd.s32 s29, s14;
	s2 =	sshll.u32 s2, $0x11;
	s5 =	sor.u32 s5, s4  }
0xa: {  	s4 =	simm.s32 $0x0;
	s23 =	sshrl.u32 s7, $0x1;
	s10 =	sadd.s32 $0x4000, s8  }
0xb: {  	s12 =	sadd.s32 $0x6000, s8;
	s15 =	sadd.s32 $0x2000, s8;
	s3 =	sadd.s32 s2, s31  }
0xc: {  	s6 =	sshrl.u32 s5, $0x3;
	[smem:$0x7FF] =	sst s4;
	s11 =	ssub.s32 s7, s23  }
0xd: {  	s5 =	sshll.u32 s5, $0x7;
	s7 =	sadd.s32 $0x200, s1;
	s0 =	sadd.s32 s6, s0  }
0xe: {  	_ =	strace $0x80000047;
	s6 =	sadd.s32 $0x100, s1;
	s25 =	sadd.s32 s5, s14  }
0xf: {  	s30 =	smax.u32 s11, $0x1;
	[dreg:$0x9] =	wrdreg s3;
	s11 =	simm.s32 $0xA400  }
.Ltmp0:
0x10: {  	s0 =	sadd.s32 $0x400, s0;
	[dreg:$0x8] =	wrdreg s30;
	(pc) =	sbr.rel .LBB2_1-.Ltmp0, $4  }
0x11: {  	s5 =	simm.s32 $0x11;
	s26 =	sadd.s32 $0x1F800, s25;
	[dreg:$0x5] =	wrdreg s0  }
0x12: {  	v0 =	vlaneseq.u32;
	s3 =	simm.s32 $0x8;
	[dreg:$0x6] =	wrdreg s26;
	s0 =	sadd.s32 $0x1FC00, s25  }
0x13: {  	v1 =	vshrl.u32 v0, $0x3;
	s25 =	simm.s32 $0x14;
	[dreg:$0x7] =	wrdreg s0;
	s0 =	sor.u32 s2, s29  }
0x14: {  	vm0 =	vmmov $0xffff;
	v0 =	vand.u32 $0x7, v0;
	v1 =	vmul.u32 $0x8, v1;
	s26 =	simm.s32 $0x12;
	[dreg:$0xa] =	wrdreg s0;
	s0 =	simm.s32 $0xD  }
.LBB2_8:
0x15: {  	s13 =	simm.s32 $0xF  }
0x16: {  	_ =	swait.ge [sflag:s13], $0x2000  }
0x17: {  	[sflag:s13] =	ssyncset.done $0x0  }
0x18: {  	s23 =	simm.s32 $0x10;
	s22 =	rddreg [dreg:$0x6];
	[sflag:s13] =	ssyncadd.s32 $0xFFFFE000  }
0x19: {  	[hbm:s22], [sflag:s29] =	dma.local [spmem:s2], $0x400  }
0x1a: {  	_ =	swait.ge [sflag:s23], $0x2000  }
0x1b: {  	[sflag:s23] =	ssyncset.done $0x0  }
0x1c: {  	s29 =	rddreg [dreg:$0x7];
	[sflag:s23] =	ssyncadd.s32 $0xFFFFE000  }
0x1d: {  	[hbm:s29], [sflag:s24] =	dma.local [spmem:s11], $0x400  }
0x1e: {  	_ =	swait.ge [sflag:s5], $0x400  }
0x1f: {  	[sflag:s5] =	ssyncset.done $0x0  }
0x20: {  	[sflag:s5] =	ssyncadd.s32 $0xFFFFFC00  }
0x21: {  	_ =	swait.ge [sflag:s26], $0x400  }
0x22: {  	[sflag:s26] =	ssyncset.done $0x0  }
0x23: {  	[sflag:s26] =	ssyncadd.s32 $0xFFFFFC00  }
0x24: {  	_ =	swait.ge [sflag:s21], $0x400  }
0x25: {  	[sflag:s21] =	ssyncset.done $0x0  }
0x26: {  	[sflag:s21] =	ssyncadd.s32 $0xFFFFFC00  }
0x27: {  	_ =	swait.ge [sflag:s25], $0x400  }
0x28: {  	s30 =	rddreg [dreg:$0xb]  }
0x29: {  	s31 =	rddreg [dreg:$0x8];
	s13 =	sadd.s32 $0x1, s30  }
0x2a: {  	p0 =	sne.s32 s13, s31  }
.Ltmp1:
0x2b: {  	_ = 	snop;
	(pc) =	sbr.rel @!p0 .LBB2_9-.Ltmp1, $3  }
0x2c: {  	_ =	sdelay $0x1  }
0x2d: {  	[sflag:s25] =	ssyncset.done $0x0  }
0x2e: {  	s11 =	simm.s32 $0xA400;
	[sflag:s25] =	ssyncadd.s32 $0xFFFFFC00  }
.LBB2_1:
0x2f: {  	[dreg:$0xb] =	wrdreg s13  }
0x30: {  	s2 =	rddreg [dreg:$0x5];
	s24 =	simm.s32 $0x15  }
0x31: {  	[tilespmem:s4], [sflag:$0x15] =	stream.linear.gather [hbm4b:s2+s4], $0x400, $0x38;
	[tilespmem:$0x18400] =	vst v63  }
0x32: {  	_ =	swait.ge [sflag:s24], $0x400  }
0x33: {  	[sflag:s24] =	ssyncset.done $0x0  }
0x34: {  	[sflag:s24] =	ssyncadd.s32 $0xFFFFFC00  }
0x35: {  	v2 =	vld.msk [tilespmem:$0x0], $0xff;
	_ =	sdelay $0x4  }
0x36: {  	v3 =	vshll.u32 v2, $0x3  }
0x37: {  	v2 =	vand.u32 $0x7, v2;
	v3 =	vand.u32 $0xFFFFFFC0, v3  }
0x38: {  	v2 =	vor.u32 v2, v3  }
0x39: {  	v2 =	vperm.xlane v2, v0;
	_ =	sdelay $0x1  }
0x3a: {  	v2 =	vadd.s32 v1, v2;
	_ =	sdelay $0x3  }
0x3b: {  	s29 =	simm.s32 $0x400  }
0x3c: {  	[tilespmem:s29], [sflag:$0x1] =	stream.indirect_vreg.gather [hbm4b:s1+s4], $0x80, v2, vm0, $0xb8;
	[tilespmem:$0x18400] =	vst v63  }
0x3d: {  	s30 =	simm.s32 $0xC00  }
0x3e: {  	[tilespmem:s30], [sflag:$0x1] =	stream.indirect_vreg.gather [hbm4b:s6+s4], $0x80, v2, vm0, $0xb8;
	[tilespmem:$0x18400] =	vst v63  }
0x3f: {  	s31 =	simm.s32 $0x1400  }
0x40: {  	[tilespmem:s31], [sflag:$0x1] =	stream.indirect_vreg.gather [hbm4b:s7+s4], $0x80, v2, vm0, $0xb8;
	[tilespmem:$0x18400] =	vst v63  }
0x41: {  	s13 =	simm.s32 $0x1C00  }
0x42: {  	[tilespmem:s13], [sflag:$0x1] =	stream.indirect_vreg.gather [hbm4b:s9+s4], $0x80, v2, vm0, $0xb8;
	[tilespmem:$0x18400] =	vst v63  }
0x43: {  	v2 =	vld.msk [tilespmem:$0x8], $0xff;
	_ =	sdelay $0x4  }
0x44: {  	v3 =	vshll.u32 v2, $0x3  }
0x45: {  	v2 =	vand.u32 $0x7, v2;
	v3 =	vand.u32 $0xFFFFFFC0, v3  }
0x46: {  	v2 =	vor.u32 v2, v3  }
0x47: {  	v2 =	vperm.xlane v2, v0;
	_ =	sdelay $0x1  }
0x48: {  	v2 =	vadd.s32 v1, v2;
	_ =	sdelay $0x3  }
0x49: {  	s14 =	simm.s32 $0x2400  }
0x4a: {  	[tilespmem:s14], [sflag:$0x2] =	stream.indirect_vreg.gather [hbm4b:s1+s4], $0x80, v2, vm0, $0xb8;
	[tilespmem:$0x18400] =	vst v63  }
0x4b: {  	s17 =	simm.s32 $0x2C00  }
0x4c: {  	[tilespmem:s17], [sflag:$0x2] =	stream.indirect_vreg.gather [hbm4b:s6+s4], $0x80, v2, vm0, $0xb8;
	[tilespmem:$0x18400] =	vst v63  }
0x4d: {  	s18 =	simm.s32 $0x3400  }
0x4e: {  	[tilespmem:s18], [sflag:$0x2] =	stream.indirect_vreg.gather [hbm4b:s7+s4], $0x80, v2, vm0, $0xb8;
	[tilespmem:$0x18400] =	vst v63  }
0x4f: {  	s22 =	simm.s32 $0x3C00  }
0x50: {  	[tilespmem:s22], [sflag:$0x2] =	stream.indirect_vreg.gather [hbm4b:s9+s4], $0x80, v2, vm0, $0xb8;
	[tilespmem:$0x18400] =	vst v63  }
0x51: {  	v2 =	vld.msk [tilespmem:$0x10], $0xff;
	_ =	sdelay $0x4  }
0x52: {  	v3 =	vshll.u32 v2, $0x3  }
0x53: {  	v2 =	vand.u32 $0x7, v2;
	v3 =	vand.u32 $0xFFFFFFC0, v3  }
0x54: {  	v2 =	vor.u32 v2, v3  }
0x55: {  	v2 =	vperm.xlane v2, v0;
	_ =	sdelay $0x1  }
0x56: {  	v2 =	vadd.s32 v1, v2;
	_ =	sdelay $0x3  }
0x57: {  	s23 =	simm.s32 $0x4400  }
0x58: {  	[tilespmem:s23], [sflag:$0x3] =	stream.indirect_vreg.gather [hbm4b:s1+s4], $0x80, v2, vm0, $0xb8;
	[tilespmem:$0x18400] =	vst v63  }
0x59: {  	s24 =	simm.s32 $0x4C00  }
0x5a: {  	[tilespmem:s24], [sflag:$0x3] =	stream.indirect_vreg.gather [hbm4b:s6+s4], $0x80, v2, vm0, $0xb8;
	[tilespmem:$0x18400] =	vst v63  }
0x5b: {  	s29 =	simm.s32 $0x5400  }
0x5c: {  	[tilespmem:s29], [sflag:$0x3] =	stream.indirect_vreg.gather [hbm4b:s7+s4], $0x80, v2, vm0, $0xb8;
	[tilespmem:$0x18400] =	vst v63  }
0x5d: {  	s30 =	simm.s32 $0x5C00  }
0x5e: {  	[tilespmem:s30], [sflag:$0x3] =	stream.indirect_vreg.gather [hbm4b:s9+s4], $0x80, v2, vm0, $0xb8;
	[tilespmem:$0x18400] =	vst v63  }
0x5f: {  	v2 =	vld.msk [tilespmem:$0x18], $0xff;
	_ =	sdelay $0x4  }
0x60: {  	v3 =	vshll.u32 v2, $0x3  }
0x61: {  	v2 =	vand.u32 $0x7, v2;
	v3 =	vand.u32 $0xFFFFFFC0, v3  }
0x62: {  	v2 =	vor.u32 v2, v3  }
0x63: {  	v2 =	vperm.xlane v2, v0;
	_ =	sdelay $0x1  }
0x64: {  	v2 =	vadd.s32 v1, v2;
	_ =	sdelay $0x3  }
0x65: {  	s31 =	simm.s32 $0x6400  }
0x66: {  	[tilespmem:s31], [sflag:$0x4] =	stream.indirect_vreg.gather [hbm4b:s1+s4], $0x80, v2, vm0, $0xb8;
	[tilespmem:$0x18400] =	vst v63  }
0x67: {  	s13 =	simm.s32 $0x6C00  }
0x68: {  	[tilespmem:s13], [sflag:$0x4] =	stream.indirect_vreg.gather [hbm4b:s6+s4], $0x80, v2, vm0, $0xb8;
	[tilespmem:$0x18400] =	vst v63  }
0x69: {  	s14 =	simm.s32 $0x7400  }
0x6a: {  	[tilespmem:s14], [sflag:$0x4] =	stream.indirect_vreg.gather [hbm4b:s7+s4], $0x80, v2, vm0, $0xb8;
	[tilespmem:$0x18400] =	vst v63  }
0x6b: {  	s17 =	simm.s32 $0x7C00  }
0x6c: {  	[tilespmem:s17], [sflag:$0x4] =	stream.indirect_vreg.gather [hbm4b:s9+s4], $0x80, v2, vm0, $0xb8;
	[tilespmem:$0x18400] =	vst v63  }
0x6d: {  	v2 =	vld.msk [tilespmem:$0x20], $0xff;
	_ =	sdelay $0x4  }
0x6e: {  	v3 =	vshll.u32 v2, $0x3  }
0x6f: {  	v2 =	vand.u32 $0x7, v2;
	v3 =	vand.u32 $0xFFFFFFC0, v3  }
0x70: {  	v2 =	vor.u32 v2, v3  }
0x71: {  	v2 =	vperm.xlane v2, v0;
	_ =	sdelay $0x1  }
0x72: {  	v2 =	vadd.s32 v1, v2;
	_ =	sdelay $0x3  }
0x73: {  	s18 =	simm.s32 $0x8400  }
0x74: {  	[tilespmem:s18], [sflag:$0x5] =	stream.indirect_vreg.gather [hbm4b:s1+s4], $0x80, v2, vm0, $0xb8;
	[tilespmem:$0x18400] =	vst v63  }
0x75: {  	s22 =	simm.s32 $0x8C00  }
0x76: {  	[tilespmem:s22], [sflag:$0x5] =	stream.indirect_vreg.gather [hbm4b:s6+s4], $0x80, v2, vm0, $0xb8;
	[tilespmem:$0x18400] =	vst v63  }
0x77: {  	s23 =	simm.s32 $0x9400  }
0x78: {  	[tilespmem:s23], [sflag:$0x5] =	stream.indirect_vreg.gather [hbm4b:s7+s4], $0x80, v2, vm0, $0xb8;
	[tilespmem:$0x18400] =	vst v63  }
0x79: {  	s24 =	simm.s32 $0x9C00  }
0x7a: {  	[tilespmem:s24], [sflag:$0x5] =	stream.indirect_vreg.gather [hbm4b:s9+s4], $0x80, v2, vm0, $0xb8;
	[tilespmem:$0x18400] =	vst v63  }
0x7b: {  	v2 =	vld.msk [tilespmem:$0x28], $0xff;
	_ =	sdelay $0x4  }
0x7c: {  	v3 =	vshll.u32 v2, $0x3  }
0x7d: {  	v2 =	vand.u32 $0x7, v2;
	v3 =	vand.u32 $0xFFFFFFC0, v3  }
0x7e: {  	v2 =	vor.u32 v2, v3  }
0x7f: {  	v2 =	vperm.xlane v2, v0;
	_ =	sdelay $0x1  }
0x80: {  	v2 =	vadd.s32 v1, v2;
	_ =	sdelay $0x4  }
0x81: {  	[tilespmem:s11], [sflag:$0x6] =	stream.indirect_vreg.gather [hbm4b:s1+s4], $0x80, v2, vm0, $0xb8;
	[tilespmem:$0x18400] =	vst v63  }
0x82: {  	s29 =	simm.s32 $0xAC00  }
0x83: {  	[tilespmem:s29], [sflag:$0x6] =	stream.indirect_vreg.gather [hbm4b:s6+s4], $0x80, v2, vm0, $0xb8;
	[tilespmem:$0x18400] =	vst v63  }
0x84: {  	s30 =	simm.s32 $0xB400  }
0x85: {  	[tilespmem:s30], [sflag:$0x6] =	stream.indirect_vreg.gather [hbm4b:s7+s4], $0x80, v2, vm0, $0xb8;
	[tilespmem:$0x18400] =	vst v63  }
0x86: {  	s31 =	simm.s32 $0xBC00;
	s17 =	simm.s32 $0x68;
	s23 =	simm.s32 $0x0  }
0x87: {  	[tilespmem:s31], [sflag:$0x6] =	stream.indirect_vreg.gather [hbm4b:s9+s4], $0x80, v2, vm0, $0xb8;
	[tilespmem:$0x18400] =	vst v63  }
.LBB2_2:
0x88: {  	s2 =	simm.s32 $0x1  }
0x89: {  	_ =	swait.ge [sflag:s2], $0x2000  }
0x8a: {  	p0 =	sne.s32 s23, $0x0;
	[sflag:s2] =	ssyncset.done $0x0  }
0x8b: {  	[sflag:s2] =	ssyncadd.s32 $0xFFFFE000;
	s2 =	simm.s32 @p0 $0x11  }
0x8c: {  	_ =	swait.ge @p0 [sflag:s2], $0x400  }
0x8d: {  	[sflag:s2] =	ssyncset.done @p0 $0x0  }
0x8e: {  	[sflag:s2] =	ssyncadd.s32 @p0 $0xFFFFFC00;
	s2 =	simm.s32 @p0 $0x400  }
0x8f: {  	[spmem:s8] =	stream.linear.scatter @p0 [tilespmem:s2], [sflag:$0x9], $0x2000, $0x38;
	[tilespmem:$0x18400] =	vst v63  }
0x90: {  	s2 =	simm.s32 @p0 $0xF  }
0x91: {  	_ =	swait.ge @p0 [sflag:s2], $0x2000  }
0x92: {  	s11 =	rddreg [dreg:$0xa]  }
0x93: {  	[sflag:s2] =	ssyncset.done @p0 $0x0;
	s11 =	sadd.s32 @p0 s23, s11  }
0x94: {  	s13 =	stileid.u32;
	[sflag:s2] =	ssyncadd.s32 @p0 $0xFFFFE000;
	s14 =	sadd.s32 @p0 $0x1FFFF800, s11  }
0x95: {  	s24 =	rddreg [dreg:$0x2];
	s2 =	sand.u32 @p0 $0x1FFFF800, s14;
	s14 =	sshll.u32 @p0 s13, $0x6  }
0x96: {  	s22 =	sshrl.u32 @p0 s10, $0x3;
	s2 =	sadd.s32 @p0 s24, s2;
	s18 =	sor.u32 @p0 $0x1C13, s14  }
0x97: {  	[hbm:s2], [sflag:s18] =	dma.local @p0 [spmem:s22], $0x400  }
0x98: {  	s2 =	simm.s32 @!p0 $0x400  }
0x99: {  	[spmem:s8] =	stream.linear.scatter @!p0 [tilespmem:s2], [sflag:$0x9], $0x2000, $0x38;
	[tilespmem:$0x18400] =	vst v63  }
0x9a: {  	v2 =	vld.msk [tilespmem:s17+$0xFFFFFFC8], $0xff;
	_ =	sdelay $0x4  }
0x9b: {  	v3 =	vshll.u32 v2, $0x3  }
0x9c: {  	v2 =	vand.u32 $0x7, v2;
	v3 =	vand.u32 $0xFFFFFFC0, v3  }
0x9d: {  	v2 =	vor.u32 v2, v3  }
0x9e: {  	v2 =	vperm.xlane v2, v0;
	_ =	sdelay $0x1  }
0x9f: {  	v2 =	vadd.s32 v1, v2;
	_ =	sdelay $0x3  }
0xa0: {  	s22 =	simm.s32 $0xC400  }
0xa1: {  	[tilespmem:s22], [sflag:$0x7] =	stream.indirect_vreg.gather [hbm4b:s1+s4], $0x80, v2, vm0, $0xb8;
	[tilespmem:$0x18400] =	vst v63  }
0xa2: {  	s29 =	simm.s32 $0xCC00  }
0xa3: {  	[tilespmem:s29], [sflag:$0x7] =	stream.indirect_vreg.gather [hbm4b:s6+s4], $0x80, v2, vm0, $0xb8;
	[tilespmem:$0x18400] =	vst v63  }
0xa4: {  	s18 =	simm.s32 $0xD400  }
0xa5: {  	[tilespmem:s18], [sflag:$0x7] =	stream.indirect_vreg.gather [hbm4b:s7+s4], $0x80, v2, vm0, $0xb8;
	[tilespmem:$0x18400] =	vst v63  }
0xa6: {  	s22 =	simm.s32 $0xDC00;
	s29 =	simm.s32 $0x2  }
0xa7: {  	[tilespmem:s22], [sflag:$0x7] =	stream.indirect_vreg.gather [hbm4b:s9+s4], $0x80, v2, vm0, $0xb8;
	[tilespmem:$0x18400] =	vst v63  }
0xa8: {  	_ =	swait.ge [sflag:s29], $0x2000  }
0xa9: {  	[sflag:s29] =	ssyncset.done $0x0  }
0xaa: {  	s2 =	simm.s32 @p0 $0x12;
	[sflag:s29] =	ssyncadd.s32 $0xFFFFE000  }
0xab: {  	_ =	swait.ge @p0 [sflag:s2], $0x400  }
0xac: {  	[sflag:s2] =	ssyncset.done @p0 $0x0  }
0xad: {  	[sflag:s2] =	ssyncadd.s32 @p0 $0xFFFFFC00;
	s2 =	simm.s32 @p0 $0x2400  }
0xae: {  	[spmem:s15] =	stream.linear.scatter @p0 [tilespmem:s2], [sflag:$0xA], $0x2000, $0x38;
	[tilespmem:$0x18400] =	vst v63  }
0xaf: {  	s2 =	simm.s32 @p0 $0x10  }
0xb0: {  	_ =	swait.ge @p0 [sflag:s2], $0x2000  }
0xb1: {  	s11 =	sadd.s32 @p0 $0x1FFFFC00, s11;
	[sflag:s2] =	ssyncset.done @p0 $0x0  }
0xb2: {  	[sflag:s2] =	ssyncadd.s32 @p0 $0xFFFFE000;
	s2 =	sand.u32 @p0 $0x1FFFFC00, s11  }
0xb3: {  	s11 =	sor.u32 @p0 $0x1C14, s14;
	s14 =	sshrl.u32 @p0 s12, $0x3;
	s2 =	sadd.s32 @p0 s24, s2  }
0xb4: {  	[hbm:s2], [sflag:s11] =	dma.local @p0 [spmem:s14], $0x400  }
0xb5: {  	s2 =	simm.s32 @!p0 $0x2400  }
0xb6: {  	[spmem:s15] =	stream.linear.scatter @!p0 [tilespmem:s2], [sflag:$0xA], $0x2000, $0x38;
	[tilespmem:$0x18400] =	vst v63  }
0xb7: {  	v2 =	vld.msk [tilespmem:s17+$0xFFFFFFD0], $0xff;
	_ =	sdelay $0x4  }
0xb8: {  	v3 =	vshll.u32 v2, $0x3  }
0xb9: {  	v2 =	vand.u32 $0x7, v2;
	v3 =	vand.u32 $0xFFFFFFC0, v3  }
0xba: {  	v2 =	vor.u32 v2, v3  }
0xbb: {  	v2 =	vperm.xlane v2, v0;
	_ =	sdelay $0x1  }
0xbc: {  	v2 =	vadd.s32 v1, v2;
	_ =	sdelay $0x4  }
0xbd: {  	[tilespmem:s28], [sflag:$0x8] =	stream.indirect_vreg.gather [hbm4b:s1+s4], $0x80, v2, vm0, $0xb8;
	[tilespmem:$0x18400] =	vst v63  }
0xbe: {  	s11 =	simm.s32 $0xEC00  }
0xbf: {  	[tilespmem:s11], [sflag:$0x8] =	stream.indirect_vreg.gather [hbm4b:s6+s4], $0x80, v2, vm0, $0xb8;
	[tilespmem:$0x18400] =	vst v63  }
0xc0: {  	s14 =	simm.s32 $0xF400  }
0xc1: {  	[tilespmem:s14], [sflag:$0x8] =	stream.indirect_vreg.gather [hbm4b:s7+s4], $0x80, v2, vm0, $0xb8;
	[tilespmem:$0x18400] =	vst v63  }
0xc2: {  	s18 =	simm.s32 $0xFC00;
	s22 =	simm.s32 $0x3  }
0xc3: {  	[tilespmem:s18], [sflag:$0x8] =	stream.indirect_vreg.gather [hbm4b:s9+s4], $0x80, v2, vm0, $0xb8;
	[tilespmem:$0x18400] =	vst v63  }
0xc4: {  	_ =	swait.ge [sflag:s22], $0x2000  }
0xc5: {  	p0 =	seq.s32 s23, $0x0;
	[sflag:s22] =	ssyncset.done $0x0  }
0xc6: {  	s2 =	simm.s32 @!p0 $0x13;
	[sflag:s22] =	ssyncadd.s32 $0xFFFFE000  }
0xc7: {  	_ =	swait.ge @!p0 [sflag:s2], $0x400  }
0xc8: {  	[sflag:s2] =	ssyncset.done @!p0 $0x0  }
0xc9: {  	p1 =	sne.s32 s23, $0x1E000;
	s24 =	simm.s32 $0x4400;
	[sflag:s2] =	ssyncadd.s32 @!p0 $0xFFFFFC00  }
0xca: {  	[spmem:s10] =	stream.linear.scatter [tilespmem:s24], [sflag:$0xB], $0x2000, $0x38;
	[tilespmem:$0x18400] =	vst v63  }
.Ltmp2:
0xcb: {  	s28 =	simm.s32 $0x9;
	(pc) =	sbr.rel @p1 .LBB2_4-.Ltmp2, $4  }
0xcc: {  	s30 =	sshrl.u32 s8, $0x3;
	_ =	swait.ge [sflag:s28], $0x2000  }
0xcd: {  	s24 =	sshll.u32 s13, $0x6;
	[sflag:s28] =	ssyncset.done $0x0;
	s29 =	rddreg [dreg:$0x9]  }
0xce: {  	s18 =	sor.u32 $0x1C11, s24;
	[sflag:s28] =	ssyncadd.s32 $0xFFFFE000;
	s31 =	sadd.s32 s23, s29  }
0xcf: {  	[hbm:s31], [sflag:s18] =	dma.local [spmem:s30], $0x400  }
.Ltmp3:
0xd0: {  	(pc) =	sbr.rel .LBB2_5-.Ltmp3, $4  }
0xd1: {  	s2 =	simm.s32 $0x4  }
0xd2: {  	_ =	swait.ge [sflag:s2], $0x2000  }
0xd3: {  	[sflag:s2] =	ssyncset.done $0x0  }
0xd4: {  	[sflag:s2] =	ssyncadd.s32 $0xFFFFE000  }
.LBB2_4:
0xd5: {  	v2 =	vld.msk [tilespmem:s17+$0xFFFFFFD8], $0xff;
	_ =	sdelay $0x4  }
0xd6: {  	v3 =	vshll.u32 v2, $0x3  }
0xd7: {  	v2 =	vand.u32 $0x7, v2;
	v3 =	vand.u32 $0xFFFFFFC0, v3  }
0xd8: {  	v2 =	vor.u32 v2, v3  }
0xd9: {  	v2 =	vperm.xlane v2, v0;
	_ =	sdelay $0x1  }
0xda: {  	v2 =	vadd.s32 v1, v2;
	_ =	sdelay $0x3  }
0xdb: {  	s2 =	simm.s32 $0x400  }
0xdc: {  	[tilespmem:s2], [sflag:$0x1] =	stream.indirect_vreg.gather [hbm4b:s1+s4], $0x80, v2, vm0, $0xb8;
	[tilespmem:$0x18400] =	vst v63  }
0xdd: {  	s14 =	simm.s32 $0xC00  }
0xde: {  	[tilespmem:s14], [sflag:$0x1] =	stream.indirect_vreg.gather [hbm4b:s6+s4], $0x80, v2, vm0, $0xb8;
	[tilespmem:$0x18400] =	vst v63  }
0xdf: {  	s22 =	simm.s32 $0x1400  }
0xe0: {  	[tilespmem:s22], [sflag:$0x1] =	stream.indirect_vreg.gather [hbm4b:s7+s4], $0x80, v2, vm0, $0xb8;
	[tilespmem:$0x18400] =	vst v63  }
.Ltmp4:
0xe1: {  	s28 =	simm.s32 $0x1C00;
	s29 =	simm.s32 $0x4;
	(pc) =	sbr.rel @p0 .LBB2_6-.Ltmp4, $4  }
0xe2: {  	[tilespmem:s28], [sflag:$0x1] =	stream.indirect_vreg.gather [hbm4b:s9+s4], $0x80, v2, vm0, $0xb8;
	[tilespmem:$0x18400] =	vst v63  }
0xe3: {  	_ =	swait.ge [sflag:s29], $0x2000  }
0xe4: {  	[sflag:s29] =	ssyncset.done $0x0  }
0xe5: {  	[sflag:s29] =	ssyncadd.s32 $0xFFFFE000  }
.LBB2_5:
0xe6: {  	_ =	swait.ge [sflag:s25], $0x400  }
0xe7: {  	[sflag:s25] =	ssyncset.done $0x0  }
0xe8: {  	[sflag:s25] =	ssyncadd.s32 $0xFFFFFC00  }
.LBB2_6:
0xe9: {  	s2 =	simm.s32 $0x6400;
	s11 =	simm.s32 $0xA  }
0xea: {  	[spmem:s12] =	stream.linear.scatter [tilespmem:s2], [sflag:$0xC], $0x2000, $0x38;
	[tilespmem:$0x18400] =	vst v63  }
0xeb: {  	_ =	swait.ge [sflag:s11], $0x2000  }
0xec: {  	p0 =	seq.s32 s23, $0x1E000;
	s13 =	sadd.s32 $0x400, s31;
	[sflag:s11] =	ssyncset.done $0x0  }
0xed: {  	s14 =	sor.u32 $0x1C12, s24;
	s22 =	sshrl.u32 s15, $0x3;
	[sflag:s11] =	ssyncadd.s32 $0xFFFFE000  }
0xee: {  	[hbm:s13], [sflag:s14] =	dma.local [spmem:s22], $0x400  }
0xef: {  	v2 =	vld.msk @!p0 [tilespmem:s17+$0xFFFFFFE0], $0xff;
	_ =	sdelay $0x4  }
0xf0: {  	v3 =	vshll.u32 @!p0 v2, $0x3  }
0xf1: {  	v4 =	vlaneseq.u32 @!p0;
	v2 =	vand.u32 @!p0 $0x7, v2;
	v3 =	vand.u32 @!p0 $0xFFFFFFC0, v3  }
0xf2: {  	v2 =	vor.u32 @!p0 v2, v3;
	v3 =	vand.u32 @!p0 $0x7, v4;
	v4 =	vshrl.u32 @!p0 v4, $0x3  }
0xf3: {  	v2 =	vperm.xlane @!p0 v2, v3;
	v4 =	vmul.u32 @!p0 $0x8, v4;
	_ =	sdelay $0x1  }
0xf4: {  	v2 =	vadd.s32 @!p0 v4, v2;
	_ =	sdelay $0x3  }
0xf5: {  	vm1 =	vmmov @!p0 $0xffff;
	s28 =	simm.s32 @!p0 $0x0;
	s2 =	simm.s32 @!p0 $0x2400  }
0xf6: {  	[tilespmem:s2], [sflag:$0x2] =	stream.indirect_vreg.gather @!p0 [hbm4b:s1+s28], $0x80, v2, vm1, $0xb8;
	[tilespmem:$0x18400] =	vst v63  }
0xf7: {  	s2 =	simm.s32 @!p0 $0x2C00  }
0xf8: {  	[tilespmem:s2], [sflag:$0x2] =	stream.indirect_vreg.gather @!p0 [hbm4b:s6+s28], $0x80, v2, vm1, $0xb8;
	[tilespmem:$0x18400] =	vst v63  }
0xf9: {  	s2 =	simm.s32 @!p0 $0x3400  }
0xfa: {  	[tilespmem:s2], [sflag:$0x2] =	stream.indirect_vreg.gather @!p0 [hbm4b:s7+s28], $0x80, v2, vm1, $0xb8;
	[tilespmem:$0x18400] =	vst v63  }
0xfb: {  	s11 =	simm.s32 $0x5;
	s2 =	simm.s32 @!p0 $0x3C00  }
0xfc: {  	[tilespmem:s2], [sflag:$0x2] =	stream.indirect_vreg.gather @!p0 [hbm4b:s9+s28], $0x80, v2, vm1, $0xb8;
	[tilespmem:$0x18400] =	vst v63  }
0xfd: {  	_ =	swait.ge [sflag:s11], $0x2000  }
0xfe: {  	[sflag:s11] =	ssyncset.done $0x0  }
0xff: {  	[sflag:s11] =	ssyncadd.s32 $0xFFFFE000  }
0x100: {  	_ =	swait.ge [sflag:s5], $0x400  }
0x101: {  	[sflag:s5] =	ssyncset.done $0x0  }
0x102: {  	s13 =	simm.s32 $0x8400;
	s11 =	simm.s32 $0xB;
	[sflag:s5] =	ssyncadd.s32 $0xFFFFFC00  }
0x103: {  	[spmem:s8] =	stream.linear.scatter [tilespmem:s13], [sflag:$0xD], $0x2000, $0x38;
	[tilespmem:$0x18400] =	vst v63  }
0x104: {  	_ =	swait.ge [sflag:s11], $0x2000  }
0x105: {  	s29 =	sor.u32 $0x1C13, s24;
	[sflag:s11] =	ssyncset.done $0x0  }
0x106: {  	s2 =	sshrl.u32 s10, $0x3;
	[sflag:s11] =	ssyncadd.s32 $0xFFFFE000;
	s11 =	sadd.s32 $0x800, s31  }
0x107: {  	[hbm:s11], [sflag:s29] =	dma.local [spmem:s2], $0x400  }
0x108: {  	v2 =	vld.msk @!p0 [tilespmem:s17+$0xFFFFFFE8], $0xff;
	_ =	sdelay $0x4  }
0x109: {  	v5 =	vshll.u32 @!p0 v2, $0x3  }
0x10a: {  	v2 =	vand.u32 @!p0 $0x7, v2;
	v5 =	vand.u32 @!p0 $0xFFFFFFC0, v5  }
0x10b: {  	v2 =	vor.u32 @!p0 v2, v5  }
0x10c: {  	v2 =	vperm.xlane @!p0 v2, v3;
	_ =	sdelay $0x1  }
0x10d: {  	v2 =	vadd.s32 @!p0 v4, v2;
	_ =	sdelay $0x3  }
0x10e: {  	s11 =	simm.s32 @!p0 $0x4400  }
0x10f: {  	[tilespmem:s11], [sflag:$0x3] =	stream.indirect_vreg.gather @!p0 [hbm4b:s1+s28], $0x80, v2, vm1, $0xb8;
	[tilespmem:$0x18400] =	vst v63  }
0x110: {  	s11 =	simm.s32 @!p0 $0x4C00  }
0x111: {  	[tilespmem:s11], [sflag:$0x3] =	stream.indirect_vreg.gather @!p0 [hbm4b:s6+s28], $0x80, v2, vm1, $0xb8;
	[tilespmem:$0x18400] =	vst v63  }
0x112: {  	s11 =	simm.s32 @!p0 $0x5400  }
0x113: {  	[tilespmem:s11], [sflag:$0x3] =	stream.indirect_vreg.gather @!p0 [hbm4b:s7+s28], $0x80, v2, vm1, $0xb8;
	[tilespmem:$0x18400] =	vst v63  }
0x114: {  	s13 =	simm.s32 $0x6;
	s11 =	simm.s32 @!p0 $0x5C00  }
0x115: {  	[tilespmem:s11], [sflag:$0x3] =	stream.indirect_vreg.gather @!p0 [hbm4b:s9+s28], $0x80, v2, vm1, $0xb8;
	[tilespmem:$0x18400] =	vst v63  }
0x116: {  	_ =	swait.ge [sflag:s13], $0x2000  }
0x117: {  	[sflag:s13] =	ssyncset.done $0x0  }
0x118: {  	[sflag:s13] =	ssyncadd.s32 $0xFFFFE000  }
0x119: {  	_ =	swait.ge [sflag:s26], $0x400  }
0x11a: {  	[sflag:s26] =	ssyncset.done $0x0  }
0x11b: {  	s13 =	simm.s32 $0xC;
	[sflag:s26] =	ssyncadd.s32 $0xFFFFFC00  }
0x11c: {  	[spmem:s15] =	stream.linear.scatter [tilespmem:s19], [sflag:$0xE], $0x2000, $0x38;
	[tilespmem:$0x18400] =	vst v63  }
0x11d: {  	_ =	swait.ge [sflag:s13], $0x2000  }
0x11e: {  	s24 =	sor.u32 $0x1C14, s24;
	[sflag:s13] =	ssyncset.done $0x0  }
0x11f: {  	s11 =	sshrl.u32 s12, $0x3;
	[sflag:s13] =	ssyncadd.s32 $0xFFFFE000;
	s13 =	sadd.s32 $0xC00, s31  }
0x120: {  	[hbm:s13], [sflag:s24] =	dma.local [spmem:s11], $0x400  }
0x121: {  	v2 =	vld.msk @!p0 [tilespmem:s17+$0xFFFFFFF0], $0xff;
	_ =	sdelay $0x4  }
0x122: {  	v5 =	vshll.u32 @!p0 v2, $0x3  }
0x123: {  	v2 =	vand.u32 @!p0 $0x7, v2;
	v5 =	vand.u32 @!p0 $0xFFFFFFC0, v5  }
0x124: {  	v2 =	vor.u32 @!p0 v2, v5  }
0x125: {  	v2 =	vperm.xlane @!p0 v2, v3;
	_ =	sdelay $0x1  }
0x126: {  	v2 =	vadd.s32 @!p0 v4, v2;
	_ =	sdelay $0x3  }
0x127: {  	s13 =	simm.s32 @!p0 $0x6400  }
0x128: {  	[tilespmem:s13], [sflag:$0x4] =	stream.indirect_vreg.gather @!p0 [hbm4b:s1+s28], $0x80, v2, vm1, $0xb8;
	[tilespmem:$0x18400] =	vst v63  }
0x129: {  	s13 =	simm.s32 @!p0 $0x6C00  }
0x12a: {  	[tilespmem:s13], [sflag:$0x4] =	stream.indirect_vreg.gather @!p0 [hbm4b:s6+s28], $0x80, v2, vm1, $0xb8;
	[tilespmem:$0x18400] =	vst v63  }
0x12b: {  	s13 =	simm.s32 @!p0 $0x7400  }
0x12c: {  	[tilespmem:s13], [sflag:$0x4] =	stream.indirect_vreg.gather @!p0 [hbm4b:s7+s28], $0x80, v2, vm1, $0xb8;
	[tilespmem:$0x18400] =	vst v63  }
0x12d: {  	s13 =	simm.s32 @!p0 $0x7C00  }
0x12e: {  	[tilespmem:s13], [sflag:$0x4] =	stream.indirect_vreg.gather @!p0 [hbm4b:s9+s28], $0x80, v2, vm1, $0xb8;
	[tilespmem:$0x18400] =	vst v63  }
0x12f: {  	_ =	swait.ge [sflag:s20], $0x2000  }
0x130: {  	[sflag:s20] =	ssyncset.done $0x0  }
0x131: {  	[sflag:s20] =	ssyncadd.s32 $0xFFFFE000  }
0x132: {  	_ =	swait.ge [sflag:s21], $0x400  }
0x133: {  	[sflag:s21] =	ssyncset.done $0x0  }
0x134: {  	s13 =	simm.s32 $0xC400;
	[sflag:s21] =	ssyncadd.s32 $0xFFFFFC00  }
0x135: {  	[spmem:s10] =	stream.linear.scatter [tilespmem:s13], [sflag:$0xF], $0x2000, $0x38;
	[tilespmem:$0x18400] =	vst v63  }
0x136: {  	_ =	swait.ge [sflag:s0], $0x2000  }
0x137: {  	[sflag:s0] =	ssyncset.done $0x0  }
0x138: {  	s13 =	sadd.s32 $0x1000, s31;
	[sflag:s0] =	ssyncadd.s32 $0xFFFFE000  }
0x139: {  	[hbm:s13], [sflag:s18] =	dma.local [spmem:s30], $0x400  }
0x13a: {  	v2 =	vld.msk @!p0 [tilespmem:s17+$0xFFFFFFF8], $0xff;
	_ =	sdelay $0x4  }
0x13b: {  	v5 =	vshll.u32 @!p0 v2, $0x3  }
0x13c: {  	v2 =	vand.u32 @!p0 $0x7, v2;
	v5 =	vand.u32 @!p0 $0xFFFFFFC0, v5  }
0x13d: {  	v2 =	vor.u32 @!p0 v2, v5  }
0x13e: {  	v2 =	vperm.xlane @!p0 v2, v3;
	_ =	sdelay $0x1  }
0x13f: {  	v2 =	vadd.s32 @!p0 v4, v2;
	_ =	sdelay $0x3  }
0x140: {  	s13 =	simm.s32 @!p0 $0x8400  }
0x141: {  	[tilespmem:s13], [sflag:$0x5] =	stream.indirect_vreg.gather @!p0 [hbm4b:s1+s28], $0x80, v2, vm1, $0xb8;
	[tilespmem:$0x18400] =	vst v63  }
0x142: {  	s13 =	simm.s32 @!p0 $0x8C00  }
0x143: {  	[tilespmem:s13], [sflag:$0x5] =	stream.indirect_vreg.gather @!p0 [hbm4b:s6+s28], $0x80, v2, vm1, $0xb8;
	[tilespmem:$0x18400] =	vst v63  }
0x144: {  	s13 =	simm.s32 @!p0 $0x9400  }
0x145: {  	[tilespmem:s13], [sflag:$0x5] =	stream.indirect_vreg.gather @!p0 [hbm4b:s7+s28], $0x80, v2, vm1, $0xb8;
	[tilespmem:$0x18400] =	vst v63  }
0x146: {  	s13 =	simm.s32 @!p0 $0x9C00  }
0x147: {  	[tilespmem:s13], [sflag:$0x5] =	stream.indirect_vreg.gather @!p0 [hbm4b:s9+s28], $0x80, v2, vm1, $0xb8;
	[tilespmem:$0x18400] =	vst v63  }
0x148: {  	_ =	swait.ge [sflag:s3], $0x2000  }
0x149: {  	[sflag:s3] =	ssyncset.done $0x0  }
0x14a: {  	[sflag:s3] =	ssyncadd.s32 $0xFFFFE000  }
0x14b: {  	_ =	swait.ge [sflag:s25], $0x400  }
0x14c: {  	[sflag:s25] =	ssyncset.done $0x0  }
0x14d: {  	s28 =	simm.s32 $0xE400;
	[sflag:s25] =	ssyncadd.s32 $0xFFFFFC00  }
0x14e: {  	[spmem:s12] =	stream.linear.scatter [tilespmem:s28], [sflag:$0x10], $0x2000, $0x38;
	[tilespmem:$0x18400] =	vst v63  }
.Ltmp5:
0x14f: {  	_ = 	snop;
	(pc) =	sbr.rel @p0 .LBB2_8-.Ltmp5, $4  }
0x150: {  	_ =	swait.ge [sflag:s16], $0x2000  }
0x151: {  	[sflag:s16] =	ssyncset.done $0x0  }
0x152: {  	s31 =	sadd.s32 $0x1400, s31;
	[sflag:s16] =	ssyncadd.s32 $0xFFFFE000  }
0x153: {  	[hbm:s31], [sflag:s14] =	dma.local [spmem:s22], $0x400  }
0x154: {  	v2 =	vld.msk [tilespmem:s17+$0x0], $0xff;
	_ =	sdelay $0x4  }
0x155: {  	v3 =	vshll.u32 v2, $0x3  }
0x156: {  	v2 =	vand.u32 $0x7, v2;
	v3 =	vand.u32 $0xFFFFFFC0, v3  }
0x157: {  	v2 =	vor.u32 v2, v3  }
0x158: {  	v2 =	vperm.xlane v2, v0;
	_ =	sdelay $0x1  }
0x159: {  	v2 =	vadd.s32 v1, v2;
	_ =	sdelay $0x4  }
0x15a: {  	[tilespmem:s19], [sflag:$0x6] =	stream.indirect_vreg.gather [hbm4b:s1+s4], $0x80, v2, vm0, $0xb8;
	[tilespmem:$0x18400] =	vst v63  }
0x15b: {  	s2 =	simm.s32 $0xAC00  }
0x15c: {  	[tilespmem:s2], [sflag:$0x6] =	stream.indirect_vreg.gather [hbm4b:s6+s4], $0x80, v2, vm0, $0xb8;
	[tilespmem:$0x18400] =	vst v63  }
.Ltmp6:
0x15d: {  	_ = 	snop;
	(pc) =	sbr.rel .LBB2_2-.Ltmp6, $4  }
0x15e: {  	s30 =	simm.s32 $0xB400  }
0x15f: {  	[tilespmem:s30], [sflag:$0x6] =	stream.indirect_vreg.gather [hbm4b:s7+s4], $0x80, v2, vm0, $0xb8;
	[tilespmem:$0x18400] =	vst v63  }
0x160: {  	s31 =	simm.s32 $0xBC00;
	s23 =	sadd.s32 $0x2000, s23;
	s17 =	sadd.s32 $0x40, s17  }
0x161: {  	[tilespmem:s31], [sflag:$0x6] =	stream.indirect_vreg.gather [hbm4b:s9+s4], $0x80, v2, vm0, $0xb8;
	[tilespmem:$0x18400] =	vst v63  }
.LBB2_9:
0x162: {  	_ =	sfence.sel $0x180000  }
0x163: {  	[bflag:$0x0] =	sbarrier.arrive $0xFFFF  }
0x164: {  	_ =	strace $0x90000047  }
0x165: {  	s0 =	stileid.u32;
	[bflag:$0x2] =	sbarrier.arrive $0xFFFF  }
0x166: {  	p0 =	sne.s32 s0, $0x0;
	s0 =	rddreg [dreg:$0x4]  }
0x167: {  	s0 =	sadd.s32 @!p0 $0x100000, s0  }
0x168: {  	[sflag:s0] =	ssyncadd.tile.s32 @!p0 $0x1;
	_ =	shalt  }
.Lfunc_end2:
_tile_overlayer_lowered:
.L_overlay_start_2:
0x169: {  	(tag) =	ssettag $0x2  }
0x16a: {  	s0 =	rddreg [dreg:$0x0];
	s2 =	stileid.u32  }
0x16b: {  	s1 =	rddreg [dreg:$0x1];
	p0 =	sne.s32 s2, $0x0  }
0x16c: {  	s3 =	rddreg [dreg:$0x2];
	[bflag:$0x3] =	sbarrier.arrive $0xFFFF;
	s2 =	simm.s32 @!p0 $0x1C15  }
0x16d: {  	[timem:s3], [sflag:s2] =	dma.local @!p0 [hbm:s0], s1  }
0x16e: {  	s0 =	simm.s32 @!p0 $0x15  }
0x16f: {  	_ =	swait.ge @!p0 [sflag:s0], s1  }
0x170: {  	s1 =	ssub.s32 @!p0 $0x0, s1;
	[sflag:s0] =	ssyncset.done @!p0 $0x0  }
0x171: {  	[sflag:s0] =	ssyncadd.s32 @!p0 s1  }
0x172: {  	[bflag:$0x3] =	sbarrier.arrive $0xFFFF  }
0x173: {  	_ =	shalt  }

</sc_bundles>
